<compile_context>
chip_gen: v7x
topology: tpu7x:2x2x1
jax: 0.10.2.dev20260603
libtpu: 0.0.44.dev20260713+nightly
codegen_flags: <defaults>
</compile_context>

<pallas_src>
import functools
import math

import jax
import jax.numpy as jnp
from jax import lax
from jax.experimental import pallas as pl
from jax.experimental.pallas import tpu as pltpu
from jax.experimental.pallas import tpu_sc as plsc

K = 64
B = 64
N = 32768
MIN_SCALE = 0.0005
LOG_2PI = math.log(2.0 * math.pi)

NC = 2
NS = 16
L = 16
NW = NC * NS
ROWS_PER_W = B // NW
CHUNK = 8192
CPR = N // CHUNK
NCH = ROWS_PER_W * CPR

CBLK = 8192
_RB = CBLK // 128


def _prep_body(ls_ref, logits_ref, c_ref, base_ref):
    ls0 = ls_ref[:, 0]
    ls1 = ls_ref[:, 1]
    lg = logits_ref[...]
    sp0 = jnp.maximum(ls0, 0.0) + jnp.log(1.0 + jnp.exp(-jnp.abs(ls0))) + MIN_SCALE
    sp1 = jnp.maximum(ls1, 0.0) + jnp.log(1.0 + jnp.exp(-jnp.abs(ls1))) + MIN_SCALE
    logdet = jnp.log(sp0 * sp1 + 1e-12)
    e = jnp.exp(lg - jnp.max(lg))
    w = e / jnp.sum(e)
    logw = jnp.log(w + 1e-9)
    c_ref[...] = logw - logdet
    base_ref[...] = jnp.full((B,), -N * LOG_2PI, jnp.float32)


_prep_call = pl.pallas_call(
    _prep_body,
    out_shape=[
        jax.ShapeDtypeStruct((K,), jnp.float32),
        jax.ShapeDtypeStruct((B,), jnp.float32),
    ],
)


def _tc_body(noise_ref, part_ref):
    i = pl.program_id(0)

    @pl.when(i == 0)
    def _init():
        part_ref[...] = jnp.zeros((B,), jnp.float32)

    x = noise_ref[...]
    part_ref[...] = part_ref[...] - 0.5 * jnp.sum(x * x, axis=(1, 2))


_tc_call = pl.pallas_call(
    _tc_body,
    grid=(2 * N // CBLK,),
    in_specs=[pl.BlockSpec((B, _RB, 128), lambda i: (0, i, 0))],
    out_specs=pl.BlockSpec((B,), lambda i: (0,)),
    out_shape=jax.ShapeDtypeStruct((B,), jnp.float32),
)

_sc_mesh = plsc.VectorSubcoreMesh(core_axis_name="c", subcore_axis_name="s")


@functools.partial(
    pl.kernel,
    out_type=jax.ShapeDtypeStruct((B, L), jnp.float32),
    mesh=_sc_mesh,
    compiler_params=pltpu.CompilerParams(needs_layout_passes=False),
    scratch_types=[
        pltpu.VMEM((CHUNK,), jnp.int32),
        pltpu.VMEM((CHUNK,), jnp.int32),
        pltpu.VMEM((K,), jnp.float32),
        pltpu.VMEM((B,), jnp.float32),
        pltpu.VMEM((ROWS_PER_W, L), jnp.float32),
        pltpu.SemaphoreType.DMA,
        pltpu.SemaphoreType.DMA,
    ],
)
def _sc_gather(c_hbm, part_hbm, idx_hbm, out_hbm,
               buf0, buf1, c_v, part_v, res_v, sem0, sem1):
    wid = lax.axis_index("s") * NC + lax.axis_index("c")
    r0 = wid * ROWS_PER_W

    pltpu.sync_copy(c_hbm, c_v)
    pltpu.sync_copy(part_hbm, part_v)

    bufs = (buf0, buf1)
    sems = (sem0, sem1)

    def start(t):
        r = r0 + (t // CPR)
        off = (t % CPR) * CHUNK
        return pltpu.async_copy(idx_hbm.at[r, pl.ds(off, CHUNK)],
                                bufs[t % 2], sems[t % 2])

    handles = {0: start(0)}
    for rloc in range(ROWS_PER_W):
        zero = jnp.zeros((L,), jnp.float32)
        accs = (zero, zero, zero, zero)
        for kk in range(CPR):
            t = rloc * CPR + kk
            if t + 1 < NCH:
                handles[t + 1] = start(t + 1)
            handles[t].wait()
            buf = bufs[t % 2]

            @plsc.parallel_loop(0, CHUNK, step=4 * L, unroll=2, carry=accs)
            def _acc(p, a):
                g0 = plsc.load_gather(c_v, [buf[pl.ds(p, L)]])
                g1 = plsc.load_gather(c_v, [buf[pl.ds(p + L, L)]])
                g2 = plsc.load_gather(c_v, [buf[pl.ds(p + 2 * L, L)]])
                g3 = plsc.load_gather(c_v, [buf[pl.ds(p + 3 * L, L)]])
                return (a[0] + g0, a[1] + g1, a[2] + g2, a[3] + g3)

            accs = _acc
        total = accs[0] + accs[1] + accs[2] + accs[3]
        part_vec = plsc.load_gather(
            part_v, [jnp.full((L,), r0 + rloc, jnp.int32)])
        res_v[rloc, :] = jnp.full((L,), jnp.sum(total), jnp.float32) + part_vec
    pltpu.sync_copy(res_v, out_hbm.at[pl.ds(r0, ROWS_PER_W)])


def kernel(idx, noise, centers_raw, log_scales, theta_raw, logits):
    del centers_raw, theta_raw
    noise_v = (noise.reshape(B, N // 128, 128, 2)
               .transpose(0, 1, 3, 2)
               .reshape(B, 2 * N // 128, 128))
    c, base = _prep_call(log_scales, logits)
    npart = _tc_call(noise_v)
    out2d = _sc_gather(c, base, idx)
    return out2d[:, 0] + npart

# --- scband reference (transcript-rebuilt; emitter-appended) ---
"""Pipeline reference for scband-gmmpolicy-83004537962559 (READ-ONLY COPY).

The authoritative reference and input builder live on the scoring server;
editing this copy changes nothing except your own understanding.
"""

import jax, jax.numpy as jnp
import numpy as np
import math

K = 64
B = 64
N = 32768
MIN_SCALE = 0.0005

def setup_inputs(seed: int = 0) -> dict:
    key = jax.random.key(seed)
    k1, k2, k3 = jax.random.split(key, 3)
    idx = jax.random.randint(k1, (B, N), 0, K, dtype=jnp.int64 if jax.config.jax_enable_x64 else jnp.int32).astype(jnp.int32)
    noise = jax.random.normal(k2, (B, N, 2), dtype=jnp.float32)
    centers_raw = jax.random.normal(k3, (K, 2), dtype=jnp.float32) * 0.1
    log_scales = jnp.full((K, 2), -2.0, dtype=jnp.float32)
    theta_raw = jnp.zeros((K,), dtype=jnp.float32)
    logits = jnp.zeros((K,), dtype=jnp.float32)
    return {"idx": idx, "noise": noise, "centers_raw": centers_raw, "log_scales": log_scales, "theta_raw": theta_raw, "logits": logits}

def reference(idx, noise, centers_raw, log_scales, theta_raw, logits):
    # params_constrained (only scales and weights are used by log_prob_batch)
    scales = jax.nn.softplus(log_scales) + MIN_SCALE          # [K, 2]
    weights = jax.nn.softmax(logits, axis=0)                   # [K]
    logw = jnp.log(weights + 1e-9)                             # [K]
    # gather per-point mixture params (SparseCore gather)
    s = jnp.take(scales, idx, axis=0)                          # [B, N, 2]
    logdet = jnp.log(s[..., 0] * s[..., 1] + 1e-12)            # [B, N]
    logp_x_given_z = (-math.log(2.0 * math.pi) - logdet - 0.5 * jnp.sum(noise ** 2, axis=-1)).sum(axis=-1)  # [B]
    logp_z = jnp.take(logw, idx, axis=0).sum(axis=-1)          # [B]
    return logp_x_given_z + logp_z                             # [B]

if __name__ == "__main__":
    import jax
    _d = setup_inputs()
    print(jax.jit(kernel)(*tuple(_d.values())))

</pallas_src>

<mosaic_0001>
#map = affine_map<(d0, d1) -> (0)>
#map1 = affine_map<(d0, d1) -> (0, 0)>
module attributes {stable_mosaic.version = 14 : i64} {
  func.func @_sc_gather(%arg0: i32, %arg1: i32, %arg2: memref<64xf32, #tpu.memory_space<hbm>>, %arg3: memref<64xf32, #tpu.memory_space<hbm>>, %arg4: memref<64x32768xi32, #tpu.memory_space<hbm>>, %arg5: memref<64x16xf32, #tpu.memory_space<hbm>>, %arg6: memref<8192xi32, #tpu.memory_space<vmem>>, %arg7: memref<8192xi32, #tpu.memory_space<vmem>>, %arg8: memref<64xf32, #tpu.memory_space<vmem>>, %arg9: memref<64xf32, #tpu.memory_space<vmem>>, %arg10: memref<2x16xf32, #tpu.memory_space<vmem>>, %arg11: memref<!tpu.dma_semaphore, #tpu.memory_space<semaphore_mem>>, %arg12: memref<!tpu.dma_semaphore, #tpu.memory_space<semaphore_mem>>) attributes {dimension_semantics = [#tpu.dimension_semantics<core_parallel>, #tpu.dimension_semantics<subcore_parallel>], iteration_bounds = array<i64: 2, 16>, scalar_prefetch = 0 : i64, scratch_operands = 7 : i64, tpu.core_type = #tpu.core_type<sc_vector_subcore>, window_params = [{transform_indices = #map}, {transform_indices = #map}, {transform_indices = #map1}, {transform_indices = #map1}]} {
    %mul3A = arith.constant 2 : i32
    %mul3A_0 = arith.muli %arg1, %mul3A : i32
    %add3A = arith.addi %mul3A_0, %arg0 : i32
    %mul3A_1 = arith.constant 2 : i32
    %mul3A_2 = arith.muli %add3A, %mul3A_1 : i32
    "tpu.region"() ({
      %run_scoped3A = tpu.sem_alloc : memref<!tpu.dma_semaphore, #tpu.memory_space<semaphore_mem>>
      tpu.enqueue_dma source(%arg2 : memref<64xf32, #tpu.memory_space<hbm>>) target(%arg8 : memref<64xf32, #tpu.memory_space<vmem>>) target_semaphore(%run_scoped3A : memref<!tpu.dma_semaphore, #tpu.memory_space<semaphore_mem>>)
      tpu.wait_dma2 semaphore(%run_scoped3A : memref<!tpu.dma_semaphore, #tpu.memory_space<semaphore_mem>>) src(%arg2 : memref<64xf32, #tpu.memory_space<hbm>>) dst(%arg8 : memref<64xf32, #tpu.memory_space<vmem>>)
      tpu.yield
    }) : () -> ()
    "tpu.region"() ({
      %run_scoped3A = tpu.sem_alloc : memref<!tpu.dma_semaphore, #tpu.memory_space<semaphore_mem>>
      tpu.enqueue_dma source(%arg3 : memref<64xf32, #tpu.memory_space<hbm>>) target(%arg9 : memref<64xf32, #tpu.memory_space<vmem>>) target_semaphore(%run_scoped3A : memref<!tpu.dma_semaphore, #tpu.memory_space<semaphore_mem>>)
      tpu.wait_dma2 semaphore(%run_scoped3A : memref<!tpu.dma_semaphore, #tpu.memory_space<semaphore_mem>>) src(%arg3 : memref<64xf32, #tpu.memory_space<hbm>>) dst(%arg9 : memref<64xf32, #tpu.memory_space<vmem>>)
      tpu.yield
    }) : () -> ()
    %add3A_3 = arith.constant 0 : i32
    %add3A_4 = arith.addi %mul3A_2, %add3A_3 : i32
    %dma_start3A = arith.constant 0 : i32
    %dma_start3A_5 = tpu.memref_slice %arg4[%add3A_4, %dma_start3A] : memref<64x32768xi32, #tpu.memory_space<hbm>> -> memref<1x8192xi32, #tpu.memory_space<hbm>>
    %dma_start3A_6 = tpu.memref_squeeze %dma_start3A_5 : memref<1x8192xi32, #tpu.memory_space<hbm>> -> memref<8192xi32, #tpu.memory_space<hbm>>
    %dma_start3A_7 = arith.constant 0 : i32
    %dma_start3A_8 = tpu.memref_slice %arg4[%add3A_4, %dma_start3A_7] : memref<64x32768xi32, #tpu.memory_space<hbm>> -> memref<1x8192xi32, #tpu.memory_space<hbm>>
    %dma_start3A_9 = tpu.memref_squeeze %dma_start3A_8 : memref<1x8192xi32, #tpu.memory_space<hbm>> -> memref<8192xi32, #tpu.memory_space<hbm>>
    tpu.enqueue_dma source(%dma_start3A_9 : memref<8192xi32, #tpu.memory_space<hbm>>) target(%arg6 : memref<8192xi32, #tpu.memory_space<vmem>>) target_semaphore(%arg11 : memref<!tpu.dma_semaphore, #tpu.memory_space<semaphore_mem>>)
    %broadcast_in_dim3A = arith.constant 0.000000e+00 : f32
    %broadcast_in_dim3A_10 = vector.broadcast %broadcast_in_dim3A : f32 to vector<16xf32>
    %add3A_11 = arith.constant 0 : i32
    %add3A_12 = arith.addi %mul3A_2, %add3A_11 : i32
    %dma_start3A_13 = arith.constant 8192 : i32
    %dma_start3A_14 = tpu.memref_slice %arg4[%add3A_12, %dma_start3A_13] : memref<64x32768xi32, #tpu.memory_space<hbm>> -> memref<1x8192xi32, #tpu.memory_space<hbm>>
    %dma_start3A_15 = tpu.memref_squeeze %dma_start3A_14 : memref<1x8192xi32, #tpu.memory_space<hbm>> -> memref<8192xi32, #tpu.memory_space<hbm>>
    %dma_start3A_16 = arith.constant 8192 : i32
    %dma_start3A_17 = tpu.memref_slice %arg4[%add3A_12, %dma_start3A_16] : memref<64x32768xi32, #tpu.memory_space<hbm>> -> memref<1x8192xi32, #tpu.memory_space<hbm>>
    %dma_start3A_18 = tpu.memref_squeeze %dma_start3A_17 : memref<1x8192xi32, #tpu.memory_space<hbm>> -> memref<8192xi32, #tpu.memory_space<hbm>>
    tpu.enqueue_dma source(%dma_start3A_18 : memref<8192xi32, #tpu.memory_space<hbm>>) target(%arg7 : memref<8192xi32, #tpu.memory_space<vmem>>) target_semaphore(%arg12 : memref<!tpu.dma_semaphore, #tpu.memory_space<semaphore_mem>>)
    %dma_wait3A = arith.constant 0 : i32
    %dma_wait3A_19 = tpu.memref_slice %arg4[%add3A_4, %dma_wait3A] : memref<64x32768xi32, #tpu.memory_space<hbm>> -> memref<1x8192xi32, #tpu.memory_space<hbm>>
    %dma_wait3A_20 = tpu.memref_squeeze %dma_wait3A_19 : memref<1x8192xi32, #tpu.memory_space<hbm>> -> memref<8192xi32, #tpu.memory_space<hbm>>
    %dma_wait3A_21 = arith.constant 0 : i32
    %dma_wait3A_22 = tpu.memref_slice %arg4[%add3A_4, %dma_wait3A_21] : memref<64x32768xi32, #tpu.memory_space<hbm>> -> memref<1x8192xi32, #tpu.memory_space<hbm>>
    %dma_wait3A_23 = tpu.memref_squeeze %dma_wait3A_22 : memref<1x8192xi32, #tpu.memory_space<hbm>> -> memref<8192xi32, #tpu.memory_space<hbm>>
    tpu.wait_dma2 semaphore(%arg11 : memref<!tpu.dma_semaphore, #tpu.memory_space<semaphore_mem>>) src(%dma_wait3A_23 : memref<8192xi32, #tpu.memory_space<hbm>>) dst(%arg6 : memref<8192xi32, #tpu.memory_space<vmem>>)
    %parallel_loop3A = arith.constant 0 : i32
    %parallel_loop3A_24 = arith.constant 8192 : i32
    %parallel_loop3A_25 = arith.constant 64 : i32
    %parallel_loop3A_26:4 = scf.for %parallel_loop3A_178 = %parallel_loop3A to %parallel_loop3A_24 step %parallel_loop3A_25 iter_args(%parallel_loop3A_179 = %broadcast_in_dim3A_10, %parallel_loop3A_180 = %broadcast_in_dim3A_10, %parallel_loop3A_181 = %broadcast_in_dim3A_10, %parallel_loop3A_182 = %broadcast_in_dim3A_10) -> (vector<16xf32>, vector<16xf32>, vector<16xf32>, vector<16xf32>)  : i32 {
      %parallel_loop3A_183 = arith.index_cast %parallel_loop3A_178 : i32 to index
      %parallel_loop3A_184 = tpu.vector_load %arg6[%parallel_loop3A_183] {strides = array<i32>} : memref<8192xi32, #tpu.memory_space<vmem>>, vector<16xi32>,
      %parallel_loop3A_185 = tpu.vector_load_idx %arg8[%parallel_loop3A_184] : memref<64xf32, #tpu.memory_space<vmem>>[vector<16xi32>], vector<16xf32>,
      %parallel_loop3A_186 = arith.constant 16 : i32
      %parallel_loop3A_187 = arith.addi %parallel_loop3A_178, %parallel_loop3A_186 : i32
      %parallel_loop3A_188 = arith.index_cast %parallel_loop3A_187 : i32 to index
      %parallel_loop3A_189 = tpu.vector_load %arg6[%parallel_loop3A_188] {strides = array<i32>} : memref<8192xi32, #tpu.memory_space<vmem>>, vector<16xi32>,
      %parallel_loop3A_190 = tpu.vector_load_idx %arg8[%parallel_loop3A_189] : memref<64xf32, #tpu.memory_space<vmem>>[vector<16xi32>], vector<16xf32>,
      %parallel_loop3A_191 = arith.constant 32 : i32
      %parallel_loop3A_192 = arith.addi %parallel_loop3A_178, %parallel_loop3A_191 : i32
      %parallel_loop3A_193 = arith.index_cast %parallel_loop3A_192 : i32 to index
      %parallel_loop3A_194 = tpu.vector_load %arg6[%parallel_loop3A_193] {strides = array<i32>} : memref<8192xi32, #tpu.memory_space<vmem>>, vector<16xi32>,
      %parallel_loop3A_195 = tpu.vector_load_idx %arg8[%parallel_loop3A_194] : memref<64xf32, #tpu.memory_space<vmem>>[vector<16xi32>], vector<16xf32>,
      %parallel_loop3A_196 = arith.constant 48 : i32
      %parallel_loop3A_197 = arith.addi %parallel_loop3A_178, %parallel_loop3A_196 : i32
      %parallel_loop3A_198 = arith.index_cast %parallel_loop3A_197 : i32 to index
      %parallel_loop3A_199 = tpu.vector_load %arg6[%parallel_loop3A_198] {strides = array<i32>} : memref<8192xi32, #tpu.memory_space<vmem>>, vector<16xi32>,
      %parallel_loop3A_200 = tpu.vector_load_idx %arg8[%parallel_loop3A_199] : memref<64xf32, #tpu.memory_space<vmem>>[vector<16xi32>], vector<16xf32>,
      %parallel_loop3A_201 = arith.addf %parallel_loop3A_179, %parallel_loop3A_185 : vector<16xf32>
      %parallel_loop3A_202 = arith.addf %parallel_loop3A_180, %parallel_loop3A_190 : vector<16xf32>
      %parallel_loop3A_203 = arith.addf %parallel_loop3A_181, %parallel_loop3A_195 : vector<16xf32>
      %parallel_loop3A_204 = arith.addf %parallel_loop3A_182, %parallel_loop3A_200 : vector<16xf32>
      scf.yield %parallel_loop3A_201, %parallel_loop3A_202, %parallel_loop3A_203, %parallel_loop3A_204 : vector<16xf32>, vector<16xf32>, vector<16xf32>, vector<16xf32>
    } {sc.loop_unroll_factor = 2 : i64, sc.parallel_access}
    %add3A_27 = arith.constant 0 : i32
    %add3A_28 = arith.addi %mul3A_2, %add3A_27 : i32
    %dma_start3A_29 = arith.constant 16384 : i32
    %dma_start3A_30 = tpu.memref_slice %arg4[%add3A_28, %dma_start3A_29] : memref<64x32768xi32, #tpu.memory_space<hbm>> -> memref<1x8192xi32, #tpu.memory_space<hbm>>
    %dma_start3A_31 = tpu.memref_squeeze %dma_start3A_30 : memref<1x8192xi32, #tpu.memory_space<hbm>> -> memref<8192xi32, #tpu.memory_space<hbm>>
    %dma_start3A_32 = arith.constant 16384 : i32
    %dma_start3A_33 = tpu.memref_slice %arg4[%add3A_28, %dma_start3A_32] : memref<64x32768xi32, #tpu.memory_space<hbm>> -> memref<1x8192xi32, #tpu.memory_space<hbm>>
    %dma_start3A_34 = tpu.memref_squeeze %dma_start3A_33 : memref<1x8192xi32, #tpu.memory_space<hbm>> -> memref<8192xi32, #tpu.memory_space<hbm>>
    tpu.enqueue_dma source(%dma_start3A_34 : memref<8192xi32, #tpu.memory_space<hbm>>) target(%arg6 : memref<8192xi32, #tpu.memory_space<vmem>>) target_semaphore(%arg11 : memref<!tpu.dma_semaphore, #tpu.memory_space<semaphore_mem>>)
    %dma_wait3A_35 = arith.constant 8192 : i32
    %dma_wait3A_36 = tpu.memref_slice %arg4[%add3A_12, %dma_wait3A_35] : memref<64x32768xi32, #tpu.memory_space<hbm>> -> memref<1x8192xi32, #tpu.memory_space<hbm>>
    %dma_wait3A_37 = tpu.memref_squeeze %dma_wait3A_36 : memref<1x8192xi32, #tpu.memory_space<hbm>> -> memref<8192xi32, #tpu.memory_space<hbm>>
    %dma_wait3A_38 = arith.constant 8192 : i32
    %dma_wait3A_39 = tpu.memref_slice %arg4[%add3A_12, %dma_wait3A_38] : memref<64x32768xi32, #tpu.memory_space<hbm>> -> memref<1x8192xi32, #tpu.memory_space<hbm>>
    %dma_wait3A_40 = tpu.memref_squeeze %dma_wait3A_39 : memref<1x8192xi32, #tpu.memory_space<hbm>> -> memref<8192xi32, #tpu.memory_space<hbm>>
    tpu.wait_dma2 semaphore(%arg12 : memref<!tpu.dma_semaphore, #tpu.memory_space<semaphore_mem>>) src(%dma_wait3A_40 : memref<8192xi32, #tpu.memory_space<hbm>>) dst(%arg7 : memref<8192xi32, #tpu.memory_space<vmem>>)
    %parallel_loop3A_41 = arith.constant 0 : i32
    %parallel_loop3A_42 = arith.constant 8192 : i32
    %parallel_loop3A_43 = arith.constant 64 : i32
    %parallel_loop3A_44:4 = scf.for %parallel_loop3A_178 = %parallel_loop3A_41 to %parallel_loop3A_42 step %parallel_loop3A_43 iter_args(%parallel_loop3A_179 = %parallel_loop3A_26#0, %parallel_loop3A_180 = %parallel_loop3A_26#1, %parallel_loop3A_181 = %parallel_loop3A_26#2, %parallel_loop3A_182 = %parallel_loop3A_26#3) -> (vector<16xf32>, vector<16xf32>, vector<16xf32>, vector<16xf32>)  : i32 {
      %parallel_loop3A_183 = arith.index_cast %parallel_loop3A_178 : i32 to index
      %parallel_loop3A_184 = tpu.vector_load %arg7[%parallel_loop3A_183] {strides = array<i32>} : memref<8192xi32, #tpu.memory_space<vmem>>, vector<16xi32>,
      %parallel_loop3A_185 = tpu.vector_load_idx %arg8[%parallel_loop3A_184] : memref<64xf32, #tpu.memory_space<vmem>>[vector<16xi32>], vector<16xf32>,
      %parallel_loop3A_186 = arith.constant 16 : i32
      %parallel_loop3A_187 = arith.addi %parallel_loop3A_178, %parallel_loop3A_186 : i32
      %parallel_loop3A_188 = arith.index_cast %parallel_loop3A_187 : i32 to index
      %parallel_loop3A_189 = tpu.vector_load %arg7[%parallel_loop3A_188] {strides = array<i32>} : memref<8192xi32, #tpu.memory_space<vmem>>, vector<16xi32>,
      %parallel_loop3A_190 = tpu.vector_load_idx %arg8[%parallel_loop3A_189] : memref<64xf32, #tpu.memory_space<vmem>>[vector<16xi32>], vector<16xf32>,
      %parallel_loop3A_191 = arith.constant 32 : i32
      %parallel_loop3A_192 = arith.addi %parallel_loop3A_178, %parallel_loop3A_191 : i32
      %parallel_loop3A_193 = arith.index_cast %parallel_loop3A_192 : i32 to index
      %parallel_loop3A_194 = tpu.vector_load %arg7[%parallel_loop3A_193] {strides = array<i32>} : memref<8192xi32, #tpu.memory_space<vmem>>, vector<16xi32>,
      %parallel_loop3A_195 = tpu.vector_load_idx %arg8[%parallel_loop3A_194] : memref<64xf32, #tpu.memory_space<vmem>>[vector<16xi32>], vector<16xf32>,
      %parallel_loop3A_196 = arith.constant 48 : i32
      %parallel_loop3A_197 = arith.addi %parallel_loop3A_178, %parallel_loop3A_196 : i32
      %parallel_loop3A_198 = arith.index_cast %parallel_loop3A_197 : i32 to index
      %parallel_loop3A_199 = tpu.vector_load %arg7[%parallel_loop3A_198] {strides = array<i32>} : memref<8192xi32, #tpu.memory_space<vmem>>, vector<16xi32>,
      %parallel_loop3A_200 = tpu.vector_load_idx %arg8[%parallel_loop3A_199] : memref<64xf32, #tpu.memory_space<vmem>>[vector<16xi32>], vector<16xf32>,
      %parallel_loop3A_201 = arith.addf %parallel_loop3A_179, %parallel_loop3A_185 : vector<16xf32>
      %parallel_loop3A_202 = arith.addf %parallel_loop3A_180, %parallel_loop3A_190 : vector<16xf32>
      %parallel_loop3A_203 = arith.addf %parallel_loop3A_181, %parallel_loop3A_195 : vector<16xf32>
      %parallel_loop3A_204 = arith.addf %parallel_loop3A_182, %parallel_loop3A_200 : vector<16xf32>
      scf.yield %parallel_loop3A_201, %parallel_loop3A_202, %parallel_loop3A_203, %parallel_loop3A_204 : vector<16xf32>, vector<16xf32>, vector<16xf32>, vector<16xf32>
    } {sc.loop_unroll_factor = 2 : i64, sc.parallel_access}
    %add3A_45 = arith.constant 0 : i32
    %add3A_46 = arith.addi %mul3A_2, %add3A_45 : i32
    %dma_start3A_47 = arith.constant 24576 : i32
    %dma_start3A_48 = tpu.memref_slice %arg4[%add3A_46, %dma_start3A_47] : memref<64x32768xi32, #tpu.memory_space<hbm>> -> memref<1x8192xi32, #tpu.memory_space<hbm>>
    %dma_start3A_49 = tpu.memref_squeeze %dma_start3A_48 : memref<1x8192xi32, #tpu.memory_space<hbm>> -> memref<8192xi32, #tpu.memory_space<hbm>>
    %dma_start3A_50 = arith.constant 24576 : i32
    %dma_start3A_51 = tpu.memref_slice %arg4[%add3A_46, %dma_start3A_50] : memref<64x32768xi32, #tpu.memory_space<hbm>> -> memref<1x8192xi32, #tpu.memory_space<hbm>>
    %dma_start3A_52 = tpu.memref_squeeze %dma_start3A_51 : memref<1x8192xi32, #tpu.memory_space<hbm>> -> memref<8192xi32, #tpu.memory_space<hbm>>
    tpu.enqueue_dma source(%dma_start3A_52 : memref<8192xi32, #tpu.memory_space<hbm>>) target(%arg7 : memref<8192xi32, #tpu.memory_space<vmem>>) target_semaphore(%arg12 : memref<!tpu.dma_semaphore, #tpu.memory_space<semaphore_mem>>)
    %dma_wait3A_53 = arith.constant 16384 : i32
    %dma_wait3A_54 = tpu.memref_slice %arg4[%add3A_28, %dma_wait3A_53] : memref<64x32768xi32, #tpu.memory_space<hbm>> -> memref<1x8192xi32, #tpu.memory_space<hbm>>
    %dma_wait3A_55 = tpu.memref_squeeze %dma_wait3A_54 : memref<1x8192xi32, #tpu.memory_space<hbm>> -> memref<8192xi32, #tpu.memory_space<hbm>>
    %dma_wait3A_56 = arith.constant 16384 : i32
    %dma_wait3A_57 = tpu.memref_slice %arg4[%add3A_28, %dma_wait3A_56] : memref<64x32768xi32, #tpu.memory_space<hbm>> -> memref<1x8192xi32, #tpu.memory_space<hbm>>
    %dma_wait3A_58 = tpu.memref_squeeze %dma_wait3A_57 : memref<1x8192xi32, #tpu.memory_space<hbm>> -> memref<8192xi32, #tpu.memory_space<hbm>>
    tpu.wait_dma2 semaphore(%arg11 : memref<!tpu.dma_semaphore, #tpu.memory_space<semaphore_mem>>) src(%dma_wait3A_58 : memref<8192xi32, #tpu.memory_space<hbm>>) dst(%arg6 : memref<8192xi32, #tpu.memory_space<vmem>>)
    %parallel_loop3A_59 = arith.constant 0 : i32
    %parallel_loop3A_60 = arith.constant 8192 : i32
    %parallel_loop3A_61 = arith.constant 64 : i32
    %parallel_loop3A_62:4 = scf.for %parallel_loop3A_178 = %parallel_loop3A_59 to %parallel_loop3A_60 step %parallel_loop3A_61 iter_args(%parallel_loop3A_179 = %parallel_loop3A_44#0, %parallel_loop3A_180 = %parallel_loop3A_44#1, %parallel_loop3A_181 = %parallel_loop3A_44#2, %parallel_loop3A_182 = %parallel_loop3A_44#3) -> (vector<16xf32>, vector<16xf32>, vector<16xf32>, vector<16xf32>)  : i32 {
      %parallel_loop3A_183 = arith.index_cast %parallel_loop3A_178 : i32 to index
      %parallel_loop3A_184 = tpu.vector_load %arg6[%parallel_loop3A_183] {strides = array<i32>} : memref<8192xi32, #tpu.memory_space<vmem>>, vector<16xi32>,
      %parallel_loop3A_185 = tpu.vector_load_idx %arg8[%parallel_loop3A_184] : memref<64xf32, #tpu.memory_space<vmem>>[vector<16xi32>], vector<16xf32>,
      %parallel_loop3A_186 = arith.constant 16 : i32
      %parallel_loop3A_187 = arith.addi %parallel_loop3A_178, %parallel_loop3A_186 : i32
      %parallel_loop3A_188 = arith.index_cast %parallel_loop3A_187 : i32 to index
      %parallel_loop3A_189 = tpu.vector_load %arg6[%parallel_loop3A_188] {strides = array<i32>} : memref<8192xi32, #tpu.memory_space<vmem>>, vector<16xi32>,
      %parallel_loop3A_190 = tpu.vector_load_idx %arg8[%parallel_loop3A_189] : memref<64xf32, #tpu.memory_space<vmem>>[vector<16xi32>], vector<16xf32>,
      %parallel_loop3A_191 = arith.constant 32 : i32
      %parallel_loop3A_192 = arith.addi %parallel_loop3A_178, %parallel_loop3A_191 : i32
      %parallel_loop3A_193 = arith.index_cast %parallel_loop3A_192 : i32 to index
      %parallel_loop3A_194 = tpu.vector_load %arg6[%parallel_loop3A_193] {strides = array<i32>} : memref<8192xi32, #tpu.memory_space<vmem>>, vector<16xi32>,
      %parallel_loop3A_195 = tpu.vector_load_idx %arg8[%parallel_loop3A_194] : memref<64xf32, #tpu.memory_space<vmem>>[vector<16xi32>], vector<16xf32>,
      %parallel_loop3A_196 = arith.constant 48 : i32
      %parallel_loop3A_197 = arith.addi %parallel_loop3A_178, %parallel_loop3A_196 : i32
      %parallel_loop3A_198 = arith.index_cast %parallel_loop3A_197 : i32 to index
      %parallel_loop3A_199 = tpu.vector_load %arg6[%parallel_loop3A_198] {strides = array<i32>} : memref<8192xi32, #tpu.memory_space<vmem>>, vector<16xi32>,
      %parallel_loop3A_200 = tpu.vector_load_idx %arg8[%parallel_loop3A_199] : memref<64xf32, #tpu.memory_space<vmem>>[vector<16xi32>], vector<16xf32>,
      %parallel_loop3A_201 = arith.addf %parallel_loop3A_179, %parallel_loop3A_185 : vector<16xf32>
      %parallel_loop3A_202 = arith.addf %parallel_loop3A_180, %parallel_loop3A_190 : vector<16xf32>
      %parallel_loop3A_203 = arith.addf %parallel_loop3A_181, %parallel_loop3A_195 : vector<16xf32>
      %parallel_loop3A_204 = arith.addf %parallel_loop3A_182, %parallel_loop3A_200 : vector<16xf32>
      scf.yield %parallel_loop3A_201, %parallel_loop3A_202, %parallel_loop3A_203, %parallel_loop3A_204 : vector<16xf32>, vector<16xf32>, vector<16xf32>, vector<16xf32>
    } {sc.loop_unroll_factor = 2 : i64, sc.parallel_access}
    %add3A_63 = arith.constant 1 : i32
    %add3A_64 = arith.addi %mul3A_2, %add3A_63 : i32
    %dma_start3A_65 = arith.constant 0 : i32
    %dma_start3A_66 = tpu.memref_slice %arg4[%add3A_64, %dma_start3A_65] : memref<64x32768xi32, #tpu.memory_space<hbm>> -> memref<1x8192xi32, #tpu.memory_space<hbm>>
    %dma_start3A_67 = tpu.memref_squeeze %dma_start3A_66 : memref<1x8192xi32, #tpu.memory_space<hbm>> -> memref<8192xi32, #tpu.memory_space<hbm>>
    %dma_start3A_68 = arith.constant 0 : i32
    %dma_start3A_69 = tpu.memref_slice %arg4[%add3A_64, %dma_start3A_68] : memref<64x32768xi32, #tpu.memory_space<hbm>> -> memref<1x8192xi32, #tpu.memory_space<hbm>>
    %dma_start3A_70 = tpu.memref_squeeze %dma_start3A_69 : memref<1x8192xi32, #tpu.memory_space<hbm>> -> memref<8192xi32, #tpu.memory_space<hbm>>
    tpu.enqueue_dma source(%dma_start3A_70 : memref<8192xi32, #tpu.memory_space<hbm>>) target(%arg6 : memref<8192xi32, #tpu.memory_space<vmem>>) target_semaphore(%arg11 : memref<!tpu.dma_semaphore, #tpu.memory_space<semaphore_mem>>)
    %dma_wait3A_71 = arith.constant 24576 : i32
    %dma_wait3A_72 = tpu.memref_slice %arg4[%add3A_46, %dma_wait3A_71] : memref<64x32768xi32, #tpu.memory_space<hbm>> -> memref<1x8192xi32, #tpu.memory_space<hbm>>
    %dma_wait3A_73 = tpu.memref_squeeze %dma_wait3A_72 : memref<1x8192xi32, #tpu.memory_space<hbm>> -> memref<8192xi32, #tpu.memory_space<hbm>>
    %dma_wait3A_74 = arith.constant 24576 : i32
    %dma_wait3A_75 = tpu.memref_slice %arg4[%add3A_46, %dma_wait3A_74] : memref<64x32768xi32, #tpu.memory_space<hbm>> -> memref<1x8192xi32, #tpu.memory_space<hbm>>
    %dma_wait3A_76 = tpu.memref_squeeze %dma_wait3A_75 : memref<1x8192xi32, #tpu.memory_space<hbm>> -> memref<8192xi32, #tpu.memory_space<hbm>>
    tpu.wait_dma2 semaphore(%arg12 : memref<!tpu.dma_semaphore, #tpu.memory_space<semaphore_mem>>) src(%dma_wait3A_76 : memref<8192xi32, #tpu.memory_space<hbm>>) dst(%arg7 : memref<8192xi32, #tpu.memory_space<vmem>>)
    %parallel_loop3A_77 = arith.constant 0 : i32
    %parallel_loop3A_78 = arith.constant 8192 : i32
    %parallel_loop3A_79 = arith.constant 64 : i32
    %parallel_loop3A_80:4 = scf.for %parallel_loop3A_178 = %parallel_loop3A_77 to %parallel_loop3A_78 step %parallel_loop3A_79 iter_args(%parallel_loop3A_179 = %parallel_loop3A_62#0, %parallel_loop3A_180 = %parallel_loop3A_62#1, %parallel_loop3A_181 = %parallel_loop3A_62#2, %parallel_loop3A_182 = %parallel_loop3A_62#3) -> (vector<16xf32>, vector<16xf32>, vector<16xf32>, vector<16xf32>)  : i32 {
      %parallel_loop3A_183 = arith.index_cast %parallel_loop3A_178 : i32 to index
      %parallel_loop3A_184 = tpu.vector_load %arg7[%parallel_loop3A_183] {strides = array<i32>} : memref<8192xi32, #tpu.memory_space<vmem>>, vector<16xi32>,
      %parallel_loop3A_185 = tpu.vector_load_idx %arg8[%parallel_loop3A_184] : memref<64xf32, #tpu.memory_space<vmem>>[vector<16xi32>], vector<16xf32>,
      %parallel_loop3A_186 = arith.constant 16 : i32
      %parallel_loop3A_187 = arith.addi %parallel_loop3A_178, %parallel_loop3A_186 : i32
      %parallel_loop3A_188 = arith.index_cast %parallel_loop3A_187 : i32 to index
      %parallel_loop3A_189 = tpu.vector_load %arg7[%parallel_loop3A_188] {strides = array<i32>} : memref<8192xi32, #tpu.memory_space<vmem>>, vector<16xi32>,
      %parallel_loop3A_190 = tpu.vector_load_idx %arg8[%parallel_loop3A_189] : memref<64xf32, #tpu.memory_space<vmem>>[vector<16xi32>], vector<16xf32>,
      %parallel_loop3A_191 = arith.constant 32 : i32
      %parallel_loop3A_192 = arith.addi %parallel_loop3A_178, %parallel_loop3A_191 : i32
      %parallel_loop3A_193 = arith.index_cast %parallel_loop3A_192 : i32 to index
      %parallel_loop3A_194 = tpu.vector_load %arg7[%parallel_loop3A_193] {strides = array<i32>} : memref<8192xi32, #tpu.memory_space<vmem>>, vector<16xi32>,
      %parallel_loop3A_195 = tpu.vector_load_idx %arg8[%parallel_loop3A_194] : memref<64xf32, #tpu.memory_space<vmem>>[vector<16xi32>], vector<16xf32>,
      %parallel_loop3A_196 = arith.constant 48 : i32
      %parallel_loop3A_197 = arith.addi %parallel_loop3A_178, %parallel_loop3A_196 : i32
      %parallel_loop3A_198 = arith.index_cast %parallel_loop3A_197 : i32 to index
      %parallel_loop3A_199 = tpu.vector_load %arg7[%parallel_loop3A_198] {strides = array<i32>} : memref<8192xi32, #tpu.memory_space<vmem>>, vector<16xi32>,
      %parallel_loop3A_200 = tpu.vector_load_idx %arg8[%parallel_loop3A_199] : memref<64xf32, #tpu.memory_space<vmem>>[vector<16xi32>], vector<16xf32>,
      %parallel_loop3A_201 = arith.addf %parallel_loop3A_179, %parallel_loop3A_185 : vector<16xf32>
      %parallel_loop3A_202 = arith.addf %parallel_loop3A_180, %parallel_loop3A_190 : vector<16xf32>
      %parallel_loop3A_203 = arith.addf %parallel_loop3A_181, %parallel_loop3A_195 : vector<16xf32>
      %parallel_loop3A_204 = arith.addf %parallel_loop3A_182, %parallel_loop3A_200 : vector<16xf32>
      scf.yield %parallel_loop3A_201, %parallel_loop3A_202, %parallel_loop3A_203, %parallel_loop3A_204 : vector<16xf32>, vector<16xf32>, vector<16xf32>, vector<16xf32>
    } {sc.loop_unroll_factor = 2 : i64, sc.parallel_access}
    %add3A_81 = arith.addf %parallel_loop3A_80#0, %parallel_loop3A_80#1 : vector<16xf32>
    %add3A_82 = arith.addf %add3A_81, %parallel_loop3A_80#2 : vector<16xf32>
    %add3A_83 = arith.addf %add3A_82, %parallel_loop3A_80#3 : vector<16xf32>
    %add3A_84 = arith.constant 0 : i32
    %add3A_85 = arith.addi %mul3A_2, %add3A_84 : i32
    %broadcast_in_dim3A_86 = vector.broadcast %add3A_85 : i32 to vector<16xi32>
    %gather3A = tpu.vector_load_idx %arg9[%broadcast_in_dim3A_86] : memref<64xf32, #tpu.memory_space<vmem>>[vector<16xi32>], vector<16xf32>,
    %reduce_sum3A = arith.constant true
    %reduce_sum3A_87 = vector.broadcast %reduce_sum3A : i1 to vector<16xi1>
    %reduce_sum3A_88 = tpu.scan <sum>, %add3A_83 masked %reduce_sum3A_87 : vector<16xf32>, vector<16xi1> -> vector<16xf32>
    %reduce_sum3A_89 = vector.extract %reduce_sum3A_88[15] : f32 from vector<16xf32>
    %broadcast_in_dim3A_90 = vector.broadcast %reduce_sum3A_89 : f32 to vector<16xf32>
    %add3A_91 = arith.addf %broadcast_in_dim3A_90, %gather3A : vector<16xf32>
    %swap3A = arith.constant 0 : i32
    %swap3A_92 = arith.index_cast %swap3A : i32 to index
    %swap3A_93 = arith.constant 0 : index
    %swap3A_94 = tpu.vector_load %arg10[%swap3A_92, %swap3A_93] {strides = array<i32>} : memref<2x16xf32, #tpu.memory_space<vmem>>, vector<16xf32>,
    tpu.vector_store %arg10[%swap3A_92, %swap3A_93], %add3A_91 {strides = array<i32>} : memref<2x16xf32, #tpu.memory_space<vmem>>, vector<16xf32>,
    %broadcast_in_dim3A_95 = arith.constant 0.000000e+00 : f32
    %broadcast_in_dim3A_96 = vector.broadcast %broadcast_in_dim3A_95 : f32 to vector<16xf32>
    %add3A_97 = arith.constant 1 : i32
    %add3A_98 = arith.addi %mul3A_2, %add3A_97 : i32
    %dma_start3A_99 = arith.constant 8192 : i32
    %dma_start3A_100 = tpu.memref_slice %arg4[%add3A_98, %dma_start3A_99] : memref<64x32768xi32, #tpu.memory_space<hbm>> -> memref<1x8192xi32, #tpu.memory_space<hbm>>
    %dma_start3A_101 = tpu.memref_squeeze %dma_start3A_100 : memref<1x8192xi32, #tpu.memory_space<hbm>> -> memref<8192xi32, #tpu.memory_space<hbm>>
    %dma_start3A_102 = arith.constant 8192 : i32
    %dma_start3A_103 = tpu.memref_slice %arg4[%add3A_98, %dma_start3A_102] : memref<64x32768xi32, #tpu.memory_space<hbm>> -> memref<1x8192xi32, #tpu.memory_space<hbm>>
    %dma_start3A_104 = tpu.memref_squeeze %dma_start3A_103 : memref<1x8192xi32, #tpu.memory_space<hbm>> -> memref<8192xi32, #tpu.memory_space<hbm>>
    tpu.enqueue_dma source(%dma_start3A_104 : memref<8192xi32, #tpu.memory_space<hbm>>) target(%arg7 : memref<8192xi32, #tpu.memory_space<vmem>>) target_semaphore(%arg12 : memref<!tpu.dma_semaphore, #tpu.memory_space<semaphore_mem>>)
    %dma_wait3A_105 = arith.constant 0 : i32
    %dma_wait3A_106 = tpu.memref_slice %arg4[%add3A_64, %dma_wait3A_105] : memref<64x32768xi32, #tpu.memory_space<hbm>> -> memref<1x8192xi32, #tpu.memory_space<hbm>>
    %dma_wait3A_107 = tpu.memref_squeeze %dma_wait3A_106 : memref<1x8192xi32, #tpu.memory_space<hbm>> -> memref<8192xi32, #tpu.memory_space<hbm>>
    %dma_wait3A_108 = arith.constant 0 : i32
    %dma_wait3A_109 = tpu.memref_slice %arg4[%add3A_64, %dma_wait3A_108] : memref<64x32768xi32, #tpu.memory_space<hbm>> -> memref<1x8192xi32, #tpu.memory_space<hbm>>
    %dma_wait3A_110 = tpu.memref_squeeze %dma_wait3A_109 : memref<1x8192xi32, #tpu.memory_space<hbm>> -> memref<8192xi32, #tpu.memory_space<hbm>>
    tpu.wait_dma2 semaphore(%arg11 : memref<!tpu.dma_semaphore, #tpu.memory_space<semaphore_mem>>) src(%dma_wait3A_110 : memref<8192xi32, #tpu.memory_space<hbm>>) dst(%arg6 : memref<8192xi32, #tpu.memory_space<vmem>>)
    %parallel_loop3A_111 = arith.constant 0 : i32
    %parallel_loop3A_112 = arith.constant 8192 : i32
    %parallel_loop3A_113 = arith.constant 64 : i32
    %parallel_loop3A_114:4 = scf.for %parallel_loop3A_178 = %parallel_loop3A_111 to %parallel_loop3A_112 step %parallel_loop3A_113 iter_args(%parallel_loop3A_179 = %broadcast_in_dim3A_96, %parallel_loop3A_180 = %broadcast_in_dim3A_96, %parallel_loop3A_181 = %broadcast_in_dim3A_96, %parallel_loop3A_182 = %broadcast_in_dim3A_96) -> (vector<16xf32>, vector<16xf32>, vector<16xf32>, vector<16xf32>)  : i32 {
      %parallel_loop3A_183 = arith.index_cast %parallel_loop3A_178 : i32 to index
      %parallel_loop3A_184 = tpu.vector_load %arg6[%parallel_loop3A_183] {strides = array<i32>} : memref<8192xi32, #tpu.memory_space<vmem>>, vector<16xi32>,
      %parallel_loop3A_185 = tpu.vector_load_idx %arg8[%parallel_loop3A_184] : memref<64xf32, #tpu.memory_space<vmem>>[vector<16xi32>], vector<16xf32>,
      %parallel_loop3A_186 = arith.constant 16 : i32
      %parallel_loop3A_187 = arith.addi %parallel_loop3A_178, %parallel_loop3A_186 : i32
      %parallel_loop3A_188 = arith.index_cast %parallel_loop3A_187 : i32 to index
      %parallel_loop3A_189 = tpu.vector_load %arg6[%parallel_loop3A_188] {strides = array<i32>} : memref<8192xi32, #tpu.memory_space<vmem>>, vector<16xi32>,
      %parallel_loop3A_190 = tpu.vector_load_idx %arg8[%parallel_loop3A_189] : memref<64xf32, #tpu.memory_space<vmem>>[vector<16xi32>], vector<16xf32>,
      %parallel_loop3A_191 = arith.constant 32 : i32
      %parallel_loop3A_192 = arith.addi %parallel_loop3A_178, %parallel_loop3A_191 : i32
      %parallel_loop3A_193 = arith.index_cast %parallel_loop3A_192 : i32 to index
      %parallel_loop3A_194 = tpu.vector_load %arg6[%parallel_loop3A_193] {strides = array<i32>} : memref<8192xi32, #tpu.memory_space<vmem>>, vector<16xi32>,
      %parallel_loop3A_195 = tpu.vector_load_idx %arg8[%parallel_loop3A_194] : memref<64xf32, #tpu.memory_space<vmem>>[vector<16xi32>], vector<16xf32>,
      %parallel_loop3A_196 = arith.constant 48 : i32
      %parallel_loop3A_197 = arith.addi %parallel_loop3A_178, %parallel_loop3A_196 : i32
      %parallel_loop3A_198 = arith.index_cast %parallel_loop3A_197 : i32 to index
      %parallel_loop3A_199 = tpu.vector_load %arg6[%parallel_loop3A_198] {strides = array<i32>} : memref<8192xi32, #tpu.memory_space<vmem>>, vector<16xi32>,
      %parallel_loop3A_200 = tpu.vector_load_idx %arg8[%parallel_loop3A_199] : memref<64xf32, #tpu.memory_space<vmem>>[vector<16xi32>], vector<16xf32>,
      %parallel_loop3A_201 = arith.addf %parallel_loop3A_179, %parallel_loop3A_185 : vector<16xf32>
      %parallel_loop3A_202 = arith.addf %parallel_loop3A_180, %parallel_loop3A_190 : vector<16xf32>
      %parallel_loop3A_203 = arith.addf %parallel_loop3A_181, %parallel_loop3A_195 : vector<16xf32>
      %parallel_loop3A_204 = arith.addf %parallel_loop3A_182, %parallel_loop3A_200 : vector<16xf32>
      scf.yield %parallel_loop3A_201, %parallel_loop3A_202, %parallel_loop3A_203, %parallel_loop3A_204 : vector<16xf32>, vector<16xf32>, vector<16xf32>, vector<16xf32>
    } {sc.loop_unroll_factor = 2 : i64, sc.parallel_access}
    %add3A_115 = arith.constant 1 : i32
    %add3A_116 = arith.addi %mul3A_2, %add3A_115 : i32
    %dma_start3A_117 = arith.constant 16384 : i32
    %dma_start3A_118 = tpu.memref_slice %arg4[%add3A_116, %dma_start3A_117] : memref<64x32768xi32, #tpu.memory_space<hbm>> -> memref<1x8192xi32, #tpu.memory_space<hbm>>
    %dma_start3A_119 = tpu.memref_squeeze %dma_start3A_118 : memref<1x8192xi32, #tpu.memory_space<hbm>> -> memref<8192xi32, #tpu.memory_space<hbm>>
    %dma_start3A_120 = arith.constant 16384 : i32
    %dma_start3A_121 = tpu.memref_slice %arg4[%add3A_116, %dma_start3A_120] : memref<64x32768xi32, #tpu.memory_space<hbm>> -> memref<1x8192xi32, #tpu.memory_space<hbm>>
    %dma_start3A_122 = tpu.memref_squeeze %dma_start3A_121 : memref<1x8192xi32, #tpu.memory_space<hbm>> -> memref<8192xi32, #tpu.memory_space<hbm>>
    tpu.enqueue_dma source(%dma_start3A_122 : memref<8192xi32, #tpu.memory_space<hbm>>) target(%arg6 : memref<8192xi32, #tpu.memory_space<vmem>>) target_semaphore(%arg11 : memref<!tpu.dma_semaphore, #tpu.memory_space<semaphore_mem>>)
    %dma_wait3A_123 = arith.constant 8192 : i32
    %dma_wait3A_124 = tpu.memref_slice %arg4[%add3A_98, %dma_wait3A_123] : memref<64x32768xi32, #tpu.memory_space<hbm>> -> memref<1x8192xi32, #tpu.memory_space<hbm>>
    %dma_wait3A_125 = tpu.memref_squeeze %dma_wait3A_124 : memref<1x8192xi32, #tpu.memory_space<hbm>> -> memref<8192xi32, #tpu.memory_space<hbm>>
    %dma_wait3A_126 = arith.constant 8192 : i32
    %dma_wait3A_127 = tpu.memref_slice %arg4[%add3A_98, %dma_wait3A_126] : memref<64x32768xi32, #tpu.memory_space<hbm>> -> memref<1x8192xi32, #tpu.memory_space<hbm>>
    %dma_wait3A_128 = tpu.memref_squeeze %dma_wait3A_127 : memref<1x8192xi32, #tpu.memory_space<hbm>> -> memref<8192xi32, #tpu.memory_space<hbm>>
    tpu.wait_dma2 semaphore(%arg12 : memref<!tpu.dma_semaphore, #tpu.memory_space<semaphore_mem>>) src(%dma_wait3A_128 : memref<8192xi32, #tpu.memory_space<hbm>>) dst(%arg7 : memref<8192xi32, #tpu.memory_space<vmem>>)
    %parallel_loop3A_129 = arith.constant 0 : i32
    %parallel_loop3A_130 = arith.constant 8192 : i32
    %parallel_loop3A_131 = arith.constant 64 : i32
    %parallel_loop3A_132:4 = scf.for %parallel_loop3A_178 = %parallel_loop3A_129 to %parallel_loop3A_130 step %parallel_loop3A_131 iter_args(%parallel_loop3A_179 = %parallel_loop3A_114#0, %parallel_loop3A_180 = %parallel_loop3A_114#1, %parallel_loop3A_181 = %parallel_loop3A_114#2, %parallel_loop3A_182 = %parallel_loop3A_114#3) -> (vector<16xf32>, vector<16xf32>, vector<16xf32>, vector<16xf32>)  : i32 {
      %parallel_loop3A_183 = arith.index_cast %parallel_loop3A_178 : i32 to index
      %parallel_loop3A_184 = tpu.vector_load %arg7[%parallel_loop3A_183] {strides = array<i32>} : memref<8192xi32, #tpu.memory_space<vmem>>, vector<16xi32>,
      %parallel_loop3A_185 = tpu.vector_load_idx %arg8[%parallel_loop3A_184] : memref<64xf32, #tpu.memory_space<vmem>>[vector<16xi32>], vector<16xf32>,
      %parallel_loop3A_186 = arith.constant 16 : i32
      %parallel_loop3A_187 = arith.addi %parallel_loop3A_178, %parallel_loop3A_186 : i32
      %parallel_loop3A_188 = arith.index_cast %parallel_loop3A_187 : i32 to index
      %parallel_loop3A_189 = tpu.vector_load %arg7[%parallel_loop3A_188] {strides = array<i32>} : memref<8192xi32, #tpu.memory_space<vmem>>, vector<16xi32>,
      %parallel_loop3A_190 = tpu.vector_load_idx %arg8[%parallel_loop3A_189] : memref<64xf32, #tpu.memory_space<vmem>>[vector<16xi32>], vector<16xf32>,
      %parallel_loop3A_191 = arith.constant 32 : i32
      %parallel_loop3A_192 = arith.addi %parallel_loop3A_178, %parallel_loop3A_191 : i32
      %parallel_loop3A_193 = arith.index_cast %parallel_loop3A_192 : i32 to index
      %parallel_loop3A_194 = tpu.vector_load %arg7[%parallel_loop3A_193] {strides = array<i32>} : memref<8192xi32, #tpu.memory_space<vmem>>, vector<16xi32>,
      %parallel_loop3A_195 = tpu.vector_load_idx %arg8[%parallel_loop3A_194] : memref<64xf32, #tpu.memory_space<vmem>>[vector<16xi32>], vector<16xf32>,
      %parallel_loop3A_196 = arith.constant 48 : i32
      %parallel_loop3A_197 = arith.addi %parallel_loop3A_178, %parallel_loop3A_196 : i32
      %parallel_loop3A_198 = arith.index_cast %parallel_loop3A_197 : i32 to index
      %parallel_loop3A_199 = tpu.vector_load %arg7[%parallel_loop3A_198] {strides = array<i32>} : memref<8192xi32, #tpu.memory_space<vmem>>, vector<16xi32>,
      %parallel_loop3A_200 = tpu.vector_load_idx %arg8[%parallel_loop3A_199] : memref<64xf32, #tpu.memory_space<vmem>>[vector<16xi32>], vector<16xf32>,
      %parallel_loop3A_201 = arith.addf %parallel_loop3A_179, %parallel_loop3A_185 : vector<16xf32>
      %parallel_loop3A_202 = arith.addf %parallel_loop3A_180, %parallel_loop3A_190 : vector<16xf32>
      %parallel_loop3A_203 = arith.addf %parallel_loop3A_181, %parallel_loop3A_195 : vector<16xf32>
      %parallel_loop3A_204 = arith.addf %parallel_loop3A_182, %parallel_loop3A_200 : vector<16xf32>
      scf.yield %parallel_loop3A_201, %parallel_loop3A_202, %parallel_loop3A_203, %parallel_loop3A_204 : vector<16xf32>, vector<16xf32>, vector<16xf32>, vector<16xf32>
    } {sc.loop_unroll_factor = 2 : i64, sc.parallel_access}
    %add3A_133 = arith.constant 1 : i32
    %add3A_134 = arith.addi %mul3A_2, %add3A_133 : i32
    %dma_start3A_135 = arith.constant 24576 : i32
    %dma_start3A_136 = tpu.memref_slice %arg4[%add3A_134, %dma_start3A_135] : memref<64x32768xi32, #tpu.memory_space<hbm>> -> memref<1x8192xi32, #tpu.memory_space<hbm>>
    %dma_start3A_137 = tpu.memref_squeeze %dma_start3A_136 : memref<1x8192xi32, #tpu.memory_space<hbm>> -> memref<8192xi32, #tpu.memory_space<hbm>>
    %dma_start3A_138 = arith.constant 24576 : i32
    %dma_start3A_139 = tpu.memref_slice %arg4[%add3A_134, %dma_start3A_138] : memref<64x32768xi32, #tpu.memory_space<hbm>> -> memref<1x8192xi32, #tpu.memory_space<hbm>>
    %dma_start3A_140 = tpu.memref_squeeze %dma_start3A_139 : memref<1x8192xi32, #tpu.memory_space<hbm>> -> memref<8192xi32, #tpu.memory_space<hbm>>
    tpu.enqueue_dma source(%dma_start3A_140 : memref<8192xi32, #tpu.memory_space<hbm>>) target(%arg7 : memref<8192xi32, #tpu.memory_space<vmem>>) target_semaphore(%arg12 : memref<!tpu.dma_semaphore, #tpu.memory_space<semaphore_mem>>)
    %dma_wait3A_141 = arith.constant 16384 : i32
    %dma_wait3A_142 = tpu.memref_slice %arg4[%add3A_116, %dma_wait3A_141] : memref<64x32768xi32, #tpu.memory_space<hbm>> -> memref<1x8192xi32, #tpu.memory_space<hbm>>
    %dma_wait3A_143 = tpu.memref_squeeze %dma_wait3A_142 : memref<1x8192xi32, #tpu.memory_space<hbm>> -> memref<8192xi32, #tpu.memory_space<hbm>>
    %dma_wait3A_144 = arith.constant 16384 : i32
    %dma_wait3A_145 = tpu.memref_slice %arg4[%add3A_116, %dma_wait3A_144] : memref<64x32768xi32, #tpu.memory_space<hbm>> -> memref<1x8192xi32, #tpu.memory_space<hbm>>
    %dma_wait3A_146 = tpu.memref_squeeze %dma_wait3A_145 : memref<1x8192xi32, #tpu.memory_space<hbm>> -> memref<8192xi32, #tpu.memory_space<hbm>>
    tpu.wait_dma2 semaphore(%arg11 : memref<!tpu.dma_semaphore, #tpu.memory_space<semaphore_mem>>) src(%dma_wait3A_146 : memref<8192xi32, #tpu.memory_space<hbm>>) dst(%arg6 : memref<8192xi32, #tpu.memory_space<vmem>>)
    %parallel_loop3A_147 = arith.constant 0 : i32
    %parallel_loop3A_148 = arith.constant 8192 : i32
    %parallel_loop3A_149 = arith.constant 64 : i32
    %parallel_loop3A_150:4 = scf.for %parallel_loop3A_178 = %parallel_loop3A_147 to %parallel_loop3A_148 step %parallel_loop3A_149 iter_args(%parallel_loop3A_179 = %parallel_loop3A_132#0, %parallel_loop3A_180 = %parallel_loop3A_132#1, %parallel_loop3A_181 = %parallel_loop3A_132#2, %parallel_loop3A_182 = %parallel_loop3A_132#3) -> (vector<16xf32>, vector<16xf32>, vector<16xf32>, vector<16xf32>)  : i32 {
      %parallel_loop3A_183 = arith.index_cast %parallel_loop3A_178 : i32 to index
      %parallel_loop3A_184 = tpu.vector_load %arg6[%parallel_loop3A_183] {strides = array<i32>} : memref<8192xi32, #tpu.memory_space<vmem>>, vector<16xi32>,
      %parallel_loop3A_185 = tpu.vector_load_idx %arg8[%parallel_loop3A_184] : memref<64xf32, #tpu.memory_space<vmem>>[vector<16xi32>], vector<16xf32>,
      %parallel_loop3A_186 = arith.constant 16 : i32
      %parallel_loop3A_187 = arith.addi %parallel_loop3A_178, %parallel_loop3A_186 : i32
      %parallel_loop3A_188 = arith.index_cast %parallel_loop3A_187 : i32 to index
      %parallel_loop3A_189 = tpu.vector_load %arg6[%parallel_loop3A_188] {strides = array<i32>} : memref<8192xi32, #tpu.memory_space<vmem>>, vector<16xi32>,
      %parallel_loop3A_190 = tpu.vector_load_idx %arg8[%parallel_loop3A_189] : memref<64xf32, #tpu.memory_space<vmem>>[vector<16xi32>], vector<16xf32>,
      %parallel_loop3A_191 = arith.constant 32 : i32
      %parallel_loop3A_192 = arith.addi %parallel_loop3A_178, %parallel_loop3A_191 : i32
      %parallel_loop3A_193 = arith.index_cast %parallel_loop3A_192 : i32 to index
      %parallel_loop3A_194 = tpu.vector_load %arg6[%parallel_loop3A_193] {strides = array<i32>} : memref<8192xi32, #tpu.memory_space<vmem>>, vector<16xi32>,
      %parallel_loop3A_195 = tpu.vector_load_idx %arg8[%parallel_loop3A_194] : memref<64xf32, #tpu.memory_space<vmem>>[vector<16xi32>], vector<16xf32>,
      %parallel_loop3A_196 = arith.constant 48 : i32
      %parallel_loop3A_197 = arith.addi %parallel_loop3A_178, %parallel_loop3A_196 : i32
      %parallel_loop3A_198 = arith.index_cast %parallel_loop3A_197 : i32 to index
      %parallel_loop3A_199 = tpu.vector_load %arg6[%parallel_loop3A_198] {strides = array<i32>} : memref<8192xi32, #tpu.memory_space<vmem>>, vector<16xi32>,
      %parallel_loop3A_200 = tpu.vector_load_idx %arg8[%parallel_loop3A_199] : memref<64xf32, #tpu.memory_space<vmem>>[vector<16xi32>], vector<16xf32>,
      %parallel_loop3A_201 = arith.addf %parallel_loop3A_179, %parallel_loop3A_185 : vector<16xf32>
      %parallel_loop3A_202 = arith.addf %parallel_loop3A_180, %parallel_loop3A_190 : vector<16xf32>
      %parallel_loop3A_203 = arith.addf %parallel_loop3A_181, %parallel_loop3A_195 : vector<16xf32>
      %parallel_loop3A_204 = arith.addf %parallel_loop3A_182, %parallel_loop3A_200 : vector<16xf32>
      scf.yield %parallel_loop3A_201, %parallel_loop3A_202, %parallel_loop3A_203, %parallel_loop3A_204 : vector<16xf32>, vector<16xf32>, vector<16xf32>, vector<16xf32>
    } {sc.loop_unroll_factor = 2 : i64, sc.parallel_access}
    %dma_wait3A_151 = arith.constant 24576 : i32
    %dma_wait3A_152 = tpu.memref_slice %arg4[%add3A_134, %dma_wait3A_151] : memref<64x32768xi32, #tpu.memory_space<hbm>> -> memref<1x8192xi32, #tpu.memory_space<hbm>>
    %dma_wait3A_153 = tpu.memref_squeeze %dma_wait3A_152 : memref<1x8192xi32, #tpu.memory_space<hbm>> -> memref<8192xi32, #tpu.memory_space<hbm>>
    %dma_wait3A_154 = arith.constant 24576 : i32
    %dma_wait3A_155 = tpu.memref_slice %arg4[%add3A_134, %dma_wait3A_154] : memref<64x32768xi32, #tpu.memory_space<hbm>> -> memref<1x8192xi32, #tpu.memory_space<hbm>>
    %dma_wait3A_156 = tpu.memref_squeeze %dma_wait3A_155 : memref<1x8192xi32, #tpu.memory_space<hbm>> -> memref<8192xi32, #tpu.memory_space<hbm>>
    tpu.wait_dma2 semaphore(%arg12 : memref<!tpu.dma_semaphore, #tpu.memory_space<semaphore_mem>>) src(%dma_wait3A_156 : memref<8192xi32, #tpu.memory_space<hbm>>) dst(%arg7 : memref<8192xi32, #tpu.memory_space<vmem>>)
    %parallel_loop3A_157 = arith.constant 0 : i32
    %parallel_loop3A_158 = arith.constant 8192 : i32
    %parallel_loop3A_159 = arith.constant 64 : i32
    %parallel_loop3A_160:4 = scf.for %parallel_loop3A_178 = %parallel_loop3A_157 to %parallel_loop3A_158 step %parallel_loop3A_159 iter_args(%parallel_loop3A_179 = %parallel_loop3A_150#0, %parallel_loop3A_180 = %parallel_loop3A_150#1, %parallel_loop3A_181 = %parallel_loop3A_150#2, %parallel_loop3A_182 = %parallel_loop3A_150#3) -> (vector<16xf32>, vector<16xf32>, vector<16xf32>, vector<16xf32>)  : i32 {
      %parallel_loop3A_183 = arith.index_cast %parallel_loop3A_178 : i32 to index
      %parallel_loop3A_184 = tpu.vector_load %arg7[%parallel_loop3A_183] {strides = array<i32>} : memref<8192xi32, #tpu.memory_space<vmem>>, vector<16xi32>,
      %parallel_loop3A_185 = tpu.vector_load_idx %arg8[%parallel_loop3A_184] : memref<64xf32, #tpu.memory_space<vmem>>[vector<16xi32>], vector<16xf32>,
      %parallel_loop3A_186 = arith.constant 16 : i32
      %parallel_loop3A_187 = arith.addi %parallel_loop3A_178, %parallel_loop3A_186 : i32
      %parallel_loop3A_188 = arith.index_cast %parallel_loop3A_187 : i32 to index
      %parallel_loop3A_189 = tpu.vector_load %arg7[%parallel_loop3A_188] {strides = array<i32>} : memref<8192xi32, #tpu.memory_space<vmem>>, vector<16xi32>,
      %parallel_loop3A_190 = tpu.vector_load_idx %arg8[%parallel_loop3A_189] : memref<64xf32, #tpu.memory_space<vmem>>[vector<16xi32>], vector<16xf32>,
      %parallel_loop3A_191 = arith.constant 32 : i32
      %parallel_loop3A_192 = arith.addi %parallel_loop3A_178, %parallel_loop3A_191 : i32
      %parallel_loop3A_193 = arith.index_cast %parallel_loop3A_192 : i32 to index
      %parallel_loop3A_194 = tpu.vector_load %arg7[%parallel_loop3A_193] {strides = array<i32>} : memref<8192xi32, #tpu.memory_space<vmem>>, vector<16xi32>,
      %parallel_loop3A_195 = tpu.vector_load_idx %arg8[%parallel_loop3A_194] : memref<64xf32, #tpu.memory_space<vmem>>[vector<16xi32>], vector<16xf32>,
      %parallel_loop3A_196 = arith.constant 48 : i32
      %parallel_loop3A_197 = arith.addi %parallel_loop3A_178, %parallel_loop3A_196 : i32
      %parallel_loop3A_198 = arith.index_cast %parallel_loop3A_197 : i32 to index
      %parallel_loop3A_199 = tpu.vector_load %arg7[%parallel_loop3A_198] {strides = array<i32>} : memref<8192xi32, #tpu.memory_space<vmem>>, vector<16xi32>,
      %parallel_loop3A_200 = tpu.vector_load_idx %arg8[%parallel_loop3A_199] : memref<64xf32, #tpu.memory_space<vmem>>[vector<16xi32>], vector<16xf32>,
      %parallel_loop3A_201 = arith.addf %parallel_loop3A_179, %parallel_loop3A_185 : vector<16xf32>
      %parallel_loop3A_202 = arith.addf %parallel_loop3A_180, %parallel_loop3A_190 : vector<16xf32>
      %parallel_loop3A_203 = arith.addf %parallel_loop3A_181, %parallel_loop3A_195 : vector<16xf32>
      %parallel_loop3A_204 = arith.addf %parallel_loop3A_182, %parallel_loop3A_200 : vector<16xf32>
      scf.yield %parallel_loop3A_201, %parallel_loop3A_202, %parallel_loop3A_203, %parallel_loop3A_204 : vector<16xf32>, vector<16xf32>, vector<16xf32>, vector<16xf32>
    } {sc.loop_unroll_factor = 2 : i64, sc.parallel_access}
    %add3A_161 = arith.addf %parallel_loop3A_160#0, %parallel_loop3A_160#1 : vector<16xf32>
    %add3A_162 = arith.addf %add3A_161, %parallel_loop3A_160#2 : vector<16xf32>
    %add3A_163 = arith.addf %add3A_162, %parallel_loop3A_160#3 : vector<16xf32>
    %add3A_164 = arith.constant 1 : i32
    %add3A_165 = arith.addi %mul3A_2, %add3A_164 : i32
    %broadcast_in_dim3A_166 = vector.broadcast %add3A_165 : i32 to vector<16xi32>
    %gather3A_167 = tpu.vector_load_idx %arg9[%broadcast_in_dim3A_166] : memref<64xf32, #tpu.memory_space<vmem>>[vector<16xi32>], vector<16xf32>,
    %reduce_sum3A_168 = arith.constant true
    %reduce_sum3A_169 = vector.broadcast %reduce_sum3A_168 : i1 to vector<16xi1>
    %reduce_sum3A_170 = tpu.scan <sum>, %add3A_163 masked %reduce_sum3A_169 : vector<16xf32>, vector<16xi1> -> vector<16xf32>
    %reduce_sum3A_171 = vector.extract %reduce_sum3A_170[15] : f32 from vector<16xf32>
    %broadcast_in_dim3A_172 = vector.broadcast %reduce_sum3A_171 : f32 to vector<16xf32>
    %add3A_173 = arith.addf %broadcast_in_dim3A_172, %gather3A_167 : vector<16xf32>
    %swap3A_174 = arith.constant 1 : i32
    %swap3A_175 = arith.index_cast %swap3A_174 : i32 to index
    %swap3A_176 = arith.constant 0 : index
    %swap3A_177 = tpu.vector_load %arg10[%swap3A_175, %swap3A_176] {strides = array<i32>} : memref<2x16xf32, #tpu.memory_space<vmem>>, vector<16xf32>,
    tpu.vector_store %arg10[%swap3A_175, %swap3A_176], %add3A_173 {strides = array<i32>} : memref<2x16xf32, #tpu.memory_space<vmem>>, vector<16xf32>,
    "tpu.region"() ({
      %run_scoped3A = tpu.sem_alloc : memref<!tpu.dma_semaphore, #tpu.memory_space<semaphore_mem>>
      %dma_start3A_178 = arith.constant 0 : i32
      %dma_start3A_179 = tpu.memref_slice %arg5[%mul3A_2, %dma_start3A_178] : memref<64x16xf32, #tpu.memory_space<hbm>> -> memref<2x16xf32, #tpu.memory_space<hbm>>
      %dma_start3A_180 = arith.constant 0 : i32
      %dma_start3A_181 = tpu.memref_slice %arg5[%mul3A_2, %dma_start3A_180] : memref<64x16xf32, #tpu.memory_space<hbm>> -> memref<2x16xf32, #tpu.memory_space<hbm>>
      tpu.enqueue_dma source(%arg10 : memref<2x16xf32, #tpu.memory_space<vmem>>) target(%dma_start3A_181 : memref<2x16xf32, #tpu.memory_space<hbm>>) target_semaphore(%run_scoped3A : memref<!tpu.dma_semaphore, #tpu.memory_space<semaphore_mem>>)
      %dma_wait3A_182 = arith.constant 0 : i32
      %dma_wait3A_183 = tpu.memref_slice %arg5[%mul3A_2, %dma_wait3A_182] : memref<64x16xf32, #tpu.memory_space<hbm>> -> memref<2x16xf32, #tpu.memory_space<hbm>>
      %dma_wait3A_184 = arith.constant 0 : i32
      %dma_wait3A_185 = tpu.memref_slice %arg5[%mul3A_2, %dma_wait3A_184] : memref<64x16xf32, #tpu.memory_space<hbm>> -> memref<2x16xf32, #tpu.memory_space<hbm>>
      tpu.wait_dma2 semaphore(%run_scoped3A : memref<!tpu.dma_semaphore, #tpu.memory_space<semaphore_mem>>) src(%arg10 : memref<2x16xf32, #tpu.memory_space<vmem>>) dst(%dma_wait3A_185 : memref<2x16xf32, #tpu.memory_space<hbm>>)
      tpu.yield
    }) : () -> ()
    return
  }
}

module attributes {stable_mosaic.version = 14 : i64} {
  func.func @_prep_body(%arg0: memref<64x2xf32, #tpu.memory_space<vmem>>, %arg1: memref<64xf32, #tpu.memory_space<vmem>>, %arg2: memref<64xf32, #tpu.memory_space<vmem>>, %arg3: memref<64xf32, #tpu.memory_space<vmem>>) attributes {dimension_semantics = [], scalar_prefetch = 0 : i64, scratch_operands = 0 : i64, tpu.core_type = #tpu.core_type<tc>} {
    %get3A = arith.constant 0 : index
    %get3A_0 = arith.constant 0 : index
    %get3A_1 = vector.load %arg0[%get3A, %get3A_0] : memref<64x2xf32, #tpu.memory_space<vmem>>, vector<64x1xf32>
    %get3A_2 = vector.shape_cast %get3A_1 : vector<64x1xf32> to vector<64xf32>
    %get3A_3 = arith.constant 0 : index
    %get3A_4 = arith.constant 1 : index
    %get3A_5 = vector.load %arg0[%get3A_3, %get3A_4] : memref<64x2xf32, #tpu.memory_space<vmem>>, vector<64x1xf32>
    %get3A_6 = vector.shape_cast %get3A_5 : vector<64x1xf32> to vector<64xf32>
    %get3A_7 = arith.constant 0 : index
    %get3A_8 = vector.load %arg1[%get3A_7] : memref<64xf32, #tpu.memory_space<vmem>>, vector<64xf32>
    %max3A = arith.constant 0.000000e+00 : f32
    %max3A_9 = vector.broadcast %max3A : f32 to vector<64xf32>
    %max3A_10 = arith.maximumf %get3A_2, %max3A_9 : vector<64xf32>
    %abs3A = math.absf %get3A_2 : vector<64xf32>
    %neg3A = arith.constant 0.000000e+00 : f32
    %neg3A_11 = vector.broadcast %neg3A : f32 to vector<64xf32>
    %neg3A_12 = arith.subf %neg3A_11, %abs3A : vector<64xf32>
    %exp3A = math.exp %neg3A_12 : vector<64xf32>
    %add3A = arith.constant 1.000000e+00 : f32
    %add3A_13 = vector.broadcast %add3A : f32 to vector<64xf32>
    %add3A_14 = arith.addf %add3A_13, %exp3A : vector<64xf32>
    %log3A = math.log %add3A_14 : vector<64xf32>
    %add3A_15 = arith.addf %max3A_10, %log3A : vector<64xf32>
    %add3A_16 = arith.constant 5.000000e-04 : f32
    %add3A_17 = vector.broadcast %add3A_16 : f32 to vector<64xf32>
    %add3A_18 = arith.addf %add3A_15, %add3A_17 : vector<64xf32>
    %max3A_19 = arith.constant 0.000000e+00 : f32
    %max3A_20 = vector.broadcast %max3A_19 : f32 to vector<64xf32>
    %max3A_21 = arith.maximumf %get3A_6, %max3A_20 : vector<64xf32>
    %abs3A_22 = math.absf %get3A_6 : vector<64xf32>
    %neg3A_23 = arith.constant 0.000000e+00 : f32
    %neg3A_24 = vector.broadcast %neg3A_23 : f32 to vector<64xf32>
    %neg3A_25 = arith.subf %neg3A_24, %abs3A_22 : vector<64xf32>
    %exp3A_26 = math.exp %neg3A_25 : vector<64xf32>
    %add3A_27 = arith.constant 1.000000e+00 : f32
    %add3A_28 = vector.broadcast %add3A_27 : f32 to vector<64xf32>
    %add3A_29 = arith.addf %add3A_28, %exp3A_26 : vector<64xf32>
    %log3A_30 = math.log %add3A_29 : vector<64xf32>
    %add3A_31 = arith.addf %max3A_21, %log3A_30 : vector<64xf32>
    %add3A_32 = arith.constant 5.000000e-04 : f32
    %add3A_33 = vector.broadcast %add3A_32 : f32 to vector<64xf32>
    %add3A_34 = arith.addf %add3A_31, %add3A_33 : vector<64xf32>
    %mul3A = arith.mulf %add3A_18, %add3A_34 : vector<64xf32>
    %add3A_35 = arith.constant 9.99999996E-13 : f32
    %add3A_36 = vector.broadcast %add3A_35 : f32 to vector<64xf32>
    %add3A_37 = arith.addf %mul3A, %add3A_36 : vector<64xf32>
    %log3A_38 = math.log %add3A_37 : vector<64xf32>
    %reduce_max3A = vector.shape_cast %get3A_8 : vector<64xf32> to vector<1x64xf32>
    %reduce_max3A_39 = arith.constant dense<0xFF800000> : vector<1xf32>
    %reduce_max3A_40 = vector.multi_reduction <maximumf>, %reduce_max3A, %reduce_max3A_39 [1] : vector<1x64xf32> to vector<1xf32>
    %reduce_max3A_41 = vector.shape_cast %reduce_max3A_40 : vector<1xf32> to vector<1x1xf32>
    %reduce_max3A_42 = vector.extract %reduce_max3A_41[0, 0] : f32 from vector<1x1xf32>
    %sub3A = vector.broadcast %reduce_max3A_42 : f32 to vector<64xf32>
    %sub3A_43 = arith.subf %get3A_8, %sub3A : vector<64xf32>
    %exp3A_44 = math.exp %sub3A_43 : vector<64xf32>
    %reduce_sum3A = vector.shape_cast %exp3A_44 : vector<64xf32> to vector<1x64xf32>
    %reduce_sum3A_45 = arith.constant dense<0.000000e+00> : vector<1xf32>
    %reduce_sum3A_46 = vector.multi_reduction <add>, %reduce_sum3A, %reduce_sum3A_45 [1] : vector<1x64xf32> to vector<1xf32>
    %reduce_sum3A_47 = vector.shape_cast %reduce_sum3A_46 : vector<1xf32> to vector<1x1xf32>
    %reduce_sum3A_48 = vector.extract %reduce_sum3A_47[0, 0] : f32 from vector<1x1xf32>
    %div3A = vector.broadcast %reduce_sum3A_48 : f32 to vector<64xf32>
    %div3A_49 = arith.divf %exp3A_44, %div3A : vector<64xf32>
    %add3A_50 = arith.constant 9.99999971E-10 : f32
    %add3A_51 = vector.broadcast %add3A_50 : f32 to vector<64xf32>
    %add3A_52 = arith.addf %div3A_49, %add3A_51 : vector<64xf32>
    %log3A_53 = math.log %add3A_52 : vector<64xf32>
    %sub3A_54 = arith.subf %log3A_53, %log3A_38 : vector<64xf32>
    %swap3A = arith.constant 0 : index
    %swap3A_55 = vector.load %arg2[%swap3A] : memref<64xf32, #tpu.memory_space<vmem>>, vector<64xf32>
    tpu.vector_store %arg2[%swap3A], %sub3A_54 {strides = array<i32>} : memref<64xf32, #tpu.memory_space<vmem>>, vector<64xf32>,
    %broadcast_in_dim3A = arith.constant -60223.5546 : f32
    %broadcast_in_dim3A_56 = vector.broadcast %broadcast_in_dim3A : f32 to vector<64xf32>
    %swap3A_57 = arith.constant 0 : index
    %swap3A_58 = vector.load %arg3[%swap3A_57] : memref<64xf32, #tpu.memory_space<vmem>>, vector<64xf32>
    tpu.vector_store %arg3[%swap3A_57], %broadcast_in_dim3A_56 {strides = array<i32>} : memref<64xf32, #tpu.memory_space<vmem>>, vector<64xf32>,
    return
  }
}

module attributes {stable_mosaic.version = 14 : i64} {
  func.func @_tc_body(%arg0: i32, %arg1: memref<64x64x128xf32, #tpu.memory_space<vmem>>, %arg2: memref<64xf32, #tpu.memory_space<vmem>>) attributes {dimension_semantics = [#tpu.dimension_semantics<arbitrary>], iteration_bounds = array<i64: 8>, scalar_prefetch = 0 : i64, scratch_operands = 0 : i64, tpu.core_type = #tpu.core_type<tc>, window_params = [{transform_indices = @transform_0, window_bounds = array<i64: 64, 64, 128>}, {pipeline_mode = #tpu.pipeline_mode<synchronous>, transform_indices = @transform_1, window_bounds = array<i64: 64>}]} {
    %eq3A = arith.constant 0 : i32
    %eq3A_0 = arith.cmpi eq, %arg0, %eq3A : i32
    %convert_element_type3A = arith.extui %eq3A_0 : i1 to i32
    %cond3A = arith.constant 0 : i32
    %cond3A_1 = arith.cmpi ne, %convert_element_type3A, %cond3A : i32
    scf.if %cond3A_1 {
      %broadcast_in_dim3A = arith.constant 0.000000e+00 : f32
      %broadcast_in_dim3A_12 = vector.broadcast %broadcast_in_dim3A : f32 to vector<64xf32>
      %swap3A_13 = arith.constant 0 : index
      %swap3A_14 = vector.load %arg2[%swap3A_13] : memref<64xf32, #tpu.memory_space<vmem>>, vector<64xf32>
      tpu.vector_store %arg2[%swap3A_13], %broadcast_in_dim3A_12 {strides = array<i32>} : memref<64xf32, #tpu.memory_space<vmem>>, vector<64xf32>,
    } else {
    }
    %get3A = arith.constant 0 : index
    %get3A_2 = arith.constant 0 : index
    %get3A_3 = arith.constant 0 : index
    %get3A_4 = vector.load %arg1[%get3A, %get3A_2, %get3A_3] : memref<64x64x128xf32, #tpu.memory_space<vmem>>, vector<64x64x128xf32>
    %get3A_5 = arith.constant 0 : index
    %get3A_6 = vector.load %arg2[%get3A_5] : memref<64xf32, #tpu.memory_space<vmem>>, vector<64xf32>
    %mul3A = arith.mulf %get3A_4, %get3A_4 : vector<64x64x128xf32>
    %reduce_sum3A = arith.constant dense<0.000000e+00> : vector<64xf32>
    %reduce_sum3A_7 = vector.multi_reduction <add>, %mul3A, %reduce_sum3A [1, 2] : vector<64x64x128xf32> to vector<64xf32>
    %mul3A_8 = arith.constant 5.000000e-01 : f32
    %mul3A_9 = vector.broadcast %mul3A_8 : f32 to vector<64xf32>
    %mul3A_10 = arith.mulf %mul3A_9, %reduce_sum3A_7 : vector<64xf32>
    %sub3A = arith.subf %get3A_6, %mul3A_10 : vector<64xf32>
    %swap3A = arith.constant 0 : index
    %swap3A_11 = vector.load %arg2[%swap3A] : memref<64xf32, #tpu.memory_space<vmem>>, vector<64xf32>
    tpu.vector_store %arg2[%swap3A], %sub3A {strides = array<i32>} : memref<64xf32, #tpu.memory_space<vmem>>, vector<64xf32>,
    return
  }
  func.func @transform_0(%arg0: i32) -> (i32, i32, i32) {
    %c0_i32 = arith.constant 0 : i32
    %c0_i32_0 = arith.constant 0 : i32
    %c0_i32_1 = arith.constant 0 : i32
    return %c0_i32, %arg0, %c0_i32_0 : i32, i32, i32
  }
  func.func @transform_1(%arg0: i32) -> i32 {
    %c0_i32 = arith.constant 0 : i32
    %c0_i32_0 = arith.constant 0 : i32
    return %c0_i32 : i32
  }
}

</mosaic_0001>

<sc_bundles>
// kernel: kernel.5.cloned.1.call-start
scs
__scs_entry_jumppad:
0x0: {  	(pc) =	sbr.rel $0x88, $3  }
0x1: {  	(tag) =	ssettag $0x0;
	lr =	simm.s32 $0x1  }
0x2: {  	[smem:$0x3F9D] =	sst lr;
	_ =	strace $0xD0000000  }
0x3: {  	_ = 	snop  }
0x4: {  	_ = 	snop  }
0x5: {  	_ = 	snop  }
0x6: {  	_ = 	snop  }
0x7: {  	_ = 	snop  }
__scs_overlays_trampoline_lowered:
0x8: {  	[smem:$0x3FAC] =	sst s0  }
0x9: {  	[smem:$0x3FAD] =	sst s1  }
0xa: {  	[smem:$0x3FAE] =	sst s2  }
0xb: {  	[smem:$0x3FAF] =	sst s3  }
0xc: {  	[smem:$0x3FB0] =	sst s4  }
0xd: {  	[smem:$0x3FB1] =	sst s5  }
0xe: {  	[smem:$0x3FB2] =	sst s6  }
0xf: {  	[smem:$0x3FB3] =	sst s7  }
0x10: {  	[smem:$0x3FB4] =	sst s8  }
0x11: {  	[smem:$0x3FB5] =	sst s9;
	s0 =	simm.s32 @!p0 $0x0  }
0x12: {  	s1 =	sld [smem:$0x3F9B];
	s0 =	simm.s32 @p0 $0x1  }
0x13: {  	[smem:$0x3FB6] =	sst s0;
	s0 =	simm.s32 @!p1 $0x0  }
0x14: {  	s2 =	sld [smem:$0x3F9A];
	s0 =	simm.s32 @p1 $0x1  }
0x15: {  	[smem:$0x3FB7] =	sst s0;
	s0 =	simm.s32 @!p2 $0x0  }
0x16: {  	s3 =	sld [smem:$0x3FDB];
	s0 =	simm.s32 @p2 $0x1  }
0x17: {  	s4 =	simm.s32 $0x1BF5;
	[smem:$0x3FB9] =	sst s0  }
0x18: {  	s0 =	sld [smem:$0x3F9C];
	_ =	swait.ge [sflag:s4], $0x0  }
0x19: {  	s7 =	sld [smem:$0x3F9D]  }
0x1a: {  	s8 =	sadd.s32 $0xFFFFE003, lr  }
0x1b: {  	s9 =	sadd.s32 $0xFFFFFEF7, lr;
	s5 =	simm.s32 $0xFFFFFFFF;
	p2 =	slt.u32 s8, $0xFFFFF086  }
0x1c: {  	p1 =	slt.u32 s9, $0xF7A;
	s5 =	simm.s32 @!p2 $0x0  }
0x1d: {  	s5 =	simm.s32 @p1 $0x1;
	p0 =	seq.s32 s7, s2  }
0x1e: {  	s7 =	smul.u32 @!p0 $0xF7A, s2;
	p2 =	seq.s32 @!p0 s5, $0x0  }
0x1f: {  	s9 =	smul.u32 $0xF7A, s1;
	s8 =	simm.s32 @!p0 $0x1BF5;
	p2 =	por !p2, p0  }
0x20: {  	[sflag:s8] =	ssyncset.s32 @!p0 $0xFFFFF086;
	s6 =	sadd.s32 @!p0 s3, s7;
	s7 =	simm.s32 @!p0 $0x108  }
0x21: {  	s3 =	sadd.s32 s3, s9;
	s6 =	sadd.s32 @!p0 $0x88, s6;
	s7 =	simm.s32 @p2 $0x1082  }
0x22: {  	[simem:s7], [sflag:s8] =	dma.local @!p0 [hbm:s6], $0xF7A  }
0x23: {  	s9 =	sor.u32 $0xD0000000, s2;
	s6 =	simm.s32 $0x108;
	_ =	swait.ge @!p0 [sflag:s8], $0x0  }
0x24: {  	s3 =	sadd.s32 $0x88, s3;
	s6 =	simm.s32 @!p1 $0x1082;
	[sflag:s4] =	ssyncset.s32 $0xFFFFF086  }
0x25: {  	[simem:s6], [sflag:s4] =	dma.local [hbm:s3], $0xF7A  }
0x26: {  	[smem:$0x3F9D] =	sst s1;
	(tag) =	ssettag s2;
	_ =	strace s9  }
0x27: {  	s1 =	sld [smem:$0x3FAD]  }
0x28: {  	s2 =	sld [smem:$0x3FAE]  }
0x29: {  	s4 =	sld [smem:$0x3FB0]  }
0x2a: {  	p0 =	seq.s32 s5, $0x0;
	s5 =	sld [smem:$0x3FB1]  }
0x2b: {  	s6 =	sld [smem:$0x3FB2]  }
0x2c: {  	s7 =	sld [smem:$0x3FB3]  }
0x2d: {  	s3 =	simm.s32 $0x108;
	s8 =	sld [smem:$0x3FB4]  }
0x2e: {  	s3 =	simm.s32 @!p0 $0x1082;
	s9 =	sld [smem:$0x3FB5]  }
0x2f: {  	lr =	sadd.s32 s0, s3;
	s0 =	sld [smem:$0x3FAC]  }
0x30: {  	s3 =	sld [smem:$0x3FAF]  }
0x31: {  	[smem:$0x3FB8] =	sst s10  }
0x32: {  	s10 =	sld [smem:$0x3FB6];
	_ =	sdelay $0x3  }
0x33: {  	p0 =	seq.s32 s10, $0x1;
	s10 =	sld [smem:$0x3FB8];
	_ =	sdelay $0x3  }
0x34: {  	[smem:$0x3FB8] =	sst s10  }
0x35: {  	s10 =	sld [smem:$0x3FB7];
	_ =	sdelay $0x3  }
0x36: {  	p1 =	seq.s32 s10, $0x1;
	s10 =	sld [smem:$0x3FB8];
	_ =	sdelay $0x3  }
0x37: {  	[smem:$0x3FB8] =	sst s10  }
0x38: {  	s10 =	sld [smem:$0x3FB9]  }
0x39: {  	_ = 	snop;
	(pc) =	sbr.ind lr, $3  }
0x3a: {  	_ = 	snop  }
0x3b: {  	_ = 	snop  }
0x3c: {  	p2 =	seq.s32 s10, $0x1;
	s10 =	sld [smem:$0x3FB8]  }
0x3d: {  	_ =	shalt  }
0x3e: {  	_ =	shalt  }
0x3f: {  	_ =	shalt  }
0x40: {  	_ =	shalt  }
0x41: {  	_ =	shalt  }
0x42: {  	_ =	shalt  }
0x43: {  	_ =	shalt  }
0x44: {  	_ =	shalt  }
0x45: {  	_ =	shalt  }
0x46: {  	_ =	shalt  }
0x47: {  	_ =	shalt  }
0x48: {  	_ =	shalt  }
0x49: {  	_ =	shalt  }
0x4a: {  	_ =	shalt  }
0x4b: {  	_ =	shalt  }
0x4c: {  	_ =	shalt  }
0x4d: {  	_ =	shalt  }
0x4e: {  	_ =	shalt  }
0x4f: {  	_ =	shalt  }
0x50: {  	_ =	shalt  }
0x51: {  	_ =	shalt  }
0x52: {  	_ =	shalt  }
0x53: {  	_ =	shalt  }
0x54: {  	_ =	shalt  }
0x55: {  	_ =	shalt  }
0x56: {  	_ =	shalt  }
0x57: {  	_ =	shalt  }
0x58: {  	_ =	shalt  }
0x59: {  	_ =	shalt  }
0x5a: {  	_ =	shalt  }
0x5b: {  	_ =	shalt  }
0x5c: {  	_ =	shalt  }
0x5d: {  	_ =	shalt  }
0x5e: {  	_ =	shalt  }
0x5f: {  	_ =	shalt  }
0x60: {  	_ =	shalt  }
0x61: {  	_ =	shalt  }
0x62: {  	_ =	shalt  }
0x63: {  	_ =	shalt  }
0x64: {  	_ =	shalt  }
0x65: {  	_ =	shalt  }
0x66: {  	_ =	shalt  }
0x67: {  	_ =	shalt  }
0x68: {  	_ =	shalt  }
0x69: {  	_ =	shalt  }
0x6a: {  	_ =	shalt  }
0x6b: {  	_ =	shalt  }
0x6c: {  	_ =	shalt  }
0x6d: {  	_ =	shalt  }
0x6e: {  	_ =	shalt  }
0x6f: {  	_ =	shalt  }
0x70: {  	_ =	shalt  }
0x71: {  	_ =	shalt  }
0x72: {  	_ =	shalt  }
0x73: {  	_ =	shalt  }
0x74: {  	_ =	shalt  }
0x75: {  	_ =	shalt  }
0x76: {  	_ =	shalt  }
0x77: {  	_ =	shalt  }
0x78: {  	_ =	shalt  }
0x79: {  	_ =	shalt  }
0x7a: {  	_ =	shalt  }
0x7b: {  	_ =	shalt  }
0x7c: {  	_ =	shalt  }
0x7d: {  	_ =	shalt  }
0x7e: {  	_ =	shalt  }
0x7f: {  	_ =	shalt  }
0x80: {  	_ =	shalt  }
0x81: {  	_ =	shalt  }
0x82: {  	_ =	shalt  }
0x83: {  	_ =	shalt  }
0x84: {  	_ =	shalt  }
0x85: {  	_ =	shalt  }
0x86: {  	_ =	shalt  }
0x87: {  	_ =	shalt  }
.Lfunc_end0:
.L_simem_size_0:
called_computation_lowered:
.L_overlay_start_0:
0x88: {  	s2 =	sld [smem:$0x3FD9]  }
0x89: {  	s3 =	sld [smem:$0x3FFE];
	_ =	sdelay $0x1  }
0x8a: {  	s1 =	srdreg.scid  }
0x8b: {  	s0 =	sand.u32 $0x1, s1  }
0x8c: {  	s17 =	sshll.u32 s0, $0xA;
	s2 =	sadd.s32 s3, s2  }
0x8d: {  	s2 =	sadd.s32 s2, s17  }
0x8e: {  	[smem:$0x3FC4] =	sst s2  }
0x8f: {  	_ = 	snop  }
0x90: {  	s2 =	sld [smem:$0x3FC9]  }
0x91: {  	s18 =	sld [smem:$0x3FD0];
	(tm) =	ssettm $0x1  }
0x92: {  	s4 =	sld [smem:$0x3FFB];
	_ =	sdelay $0x3  }
0x93: {  	_ =	strace s4  }
0x94: {  	s4 =	sld [smem:$0x3FFC];
	_ =	sdelay $0x3  }
0x95: {  	_ =	strace s4  }
0x96: {  	s4 =	sld [smem:$0x3FFD];
	_ =	sdelay $0x3  }
0x97: {  	_ =	strace s4  }
0x98: {  	_ =	strace $0x8FFFFFFF  }
0x99: {  	s19 =	sld [smem:$0x3FDB];
	_ =	sdelay $0x1  }
0x9a: {  	s5 =	simm.s32 $_scs_section_size  }
0x9b: {  	s6 =	simm.s32 $_size__tile_overlayer_lowered;
	s7 =	simm.s32 $_tile_overlayer_lowered  }
0x9c: {  	s22 =	simm.s32 $0x1BFF;
	s21 =	sshll.u32 s7, $0x1;
	s4 =	sadd.s32 s5, s19  }
0x9d: {  	s8 =	simm.s32 $0x0;
	s20 =	sshll.u32 s6, $0x1;
	s6 =	sadd.s32 s21, s4  }
0x9e: {  	[timem:s8], [sflag:s22] =	dma.local [hbm:s6], s20  }
0x9f: {  	_ =	swait.ge [sflag:s22], s20  }
0xa0: {  	s5 =	ssub.s32 $0x0, s20;
	[sflag:s22] =	ssyncset.done $0x0  }
0xa1: {  	[sflag:s22] =	ssyncadd.s32 s5;
	_ =	sdelay $0x1  }
0xa2: {  	s23 =	simm.s32 $0x1B8B  }
0xa3: {  	_ =	swait.ge [sflag:s23], $0x1  }
0xa4: {  	[sflag:s23] =	ssyncset.done $0x0  }
0xa5: {  	s25 =	simm.s32 $0x1B8E;
	s24 =	sld [smem:$0x3FFE];
	[sflag:s23] =	ssyncadd.s32 $0xFFFFFFFF  }
0xa6: {  	s26 =	simm.s32 $execute0_lowered;
	[smem:$0x3FD2] =	sst s25  }
0xa7: {  	s6 =	sshll.u32 s26, $0x1;
	_ =	strace $0x80000046;
	[dreg:$0x1] =	wrdreg $0xFFFFFFFF  }
0xa8: {  	s28 =	simm.s32 $_size_execute0_lowered;
	s4 =	sadd.s32 s4, s6;
	[dreg:$0x0] =	wrdreg $0x0  }
0xa9: {  	s6 =	sshll.u32 s28, $0x1;
	[dreg:$0x2] =	wrdreg s4  }
0xaa: {  	[dreg:$0x3] =	wrdreg s6  }
0xab: {  	[dreg:$0x4] =	wrdreg $0xC0  }
0xac: {  	_ =	task [dreg:s8], $0x5FFFF  }
0xad: {  	[dreg:$0x1] =	wrdreg $0xFFFFFFFF  }
0xae: {  	[dreg:$0x0] =	wrdreg $0x60  }
0xaf: {  	[dreg:$0x2] =	wrdreg s18  }
0xb0: {  	[dreg:$0x3] =	wrdreg s24  }
0xb1: {  	[dreg:$0x4] =	wrdreg s2  }
0xb2: {  	[dreg:$0x5] =	wrdreg $0x9  }
0xb3: {  	_ =	task.clear_ibuf [dreg:s8], $0x6FFFF;
	_ =	strace $0x90000046  }
0xb4: {  	s29 =	simm.s32 $0x9;
	_ =	strace $0x80000048  }
0xb5: {  	_ =	swait.ge [sflag:s29], $0x1  }
0xb6: {  	[sflag:s29] =	ssyncadd.s32 $0xFFFFFFFF  }
0xb7: {  	_ =	strace $0x90000048  }
0xb8: {  	_ =	sfence  }
0xb9: {  	s30 =	sld [smem:$0x0];
	_ =	sdelay $0x2  }
0xba: {  	s31 =	sshll.u32 s1, $0xD;
	s1 =	sshrl.u32 s1, $0x2  }
0xbb: {  	s3 =	sand.u32 $0x4000, s31;
	s1 =	sadd.s32 s1, s30  }
0xbc: {  	s0 =	sor.u32 s3, s0;
	s1 =	sshll.u32 s1, $0x11  }
0xbd: {  	s0 =	sor.u32 s1, s0  }
0xbe: {  	s0 =	sadd.s32 $0x8F2B, s0  }
0xbf: {  	[sflag:s0] =	ssyncadd.remote.s32 $0x1  }
0xc0: {  	_ =	sfence.sel $0xFFFF  }
0xc1: {  	[dreg:$0x0] =	wrdreg $0xFFFFFFFF;
	(pc) =	sbr.abs _section_cstart, $3  }
0xc2: {  	[dreg:$0x1] =	wrdreg $0xFFFFFFFF  }
0xc3: {  	_ =	task.clear_ibuf [dreg:s8], $0x2FFFF;
	_ =	strace $0x9FFFFFFF  }
0xc4: {  	(tm) =	ssettm $0x7FFFFFFF  }
0xc5: {  	_ =	shalt  }
tec
execute0_lowered:
.L_overlay_start_1:
0x0: {  	(tag) =	ssettag $0x1  }
0x1: {  	s1 =	rddreg [dreg:$0x0]  }
0x2: {  	s2 =	srdreg.scid;
	s5 =	rddreg [dreg:$0x1]  }
0x3: {  	s0 =	stileid.u32;
	s12 =	rddreg [dreg:$0x2]  }
0x4: {  	s3 =	simm.s32 $0x0;
	s17 =	simm.s32 $0x4080;
	s18 =	simm.s32 $0x80  }
0x5: {  	s20 =	simm.s32 $0x2000;
	s21 =	simm.s32 $0x1;
	s23 =	simm.s32 $0x4100  }
0x6: {  	s24 =	simm.s32 $0x0;
	s6 =	sand.u32 $0x1, s2;
	s2 =	rddreg [dreg:$0x3]  }
0x7: {  	s4 =	sshll.u32 s0, $0x2;
	[smem:$0x7FF] =	sst s3;
	s28 =	sshrl.u32 s0, $0x1  }
0x8: {  	s10 =	sadd.s32 $0x2000, s12;
	s15 =	sadd.s32 $0x4000, s12;
	s7 =	sshll.u32 s6, $0x1  }
0x9: {  	_ =	strace $0x80000047;
	s9 =	sshll.u32 s28, $0xA;
	s6 =	ssub.s32 $0x2, s6  }
0xa: {  	s19 =	sor.u32 s7, s4;
	s7 =	sshll.u32 s28, $0x12;
	s29 =	sshrl.u32 s6, $0x1  }
0xb: {  	s4 =	sshll.u32 s19, $0x7;
	s14 =	ssub.s32 s6, s29;
	s22 =	sor.u32 $0x1, s19  }
0xc: {  	s30 =	sshll.u32 s19, $0xF;
	v0 =	vmov s19;
	s19 =	simm.s32 $0x400;
	s8 =	sand.u32 $0x300, s4  }
0xd: {  	s4 =	sadd.s32 $0xA00, s5;
	s31 =	sshll.u32 s22, $0x7;
	s14 =	smax.u32 s14, $0x1  }
0xe: {  	v1 =	vmov s22;
	s22 =	simm.s32 $0x2;
	s9 =	sor.u32 s9, s8;
	s7 =	sor.u32 s7, s8  }
0xf: {  	s11 =	sor.u32 s30, s31;
	s9 =	sshrl.u32 s9, $0x3;
	s7 =	sshrl.u32 s7, $0x3  }
0x10: {  	s11 =	sand.u32 $0x1C0380, s11;
	s13 =	sadd.s32 s9, s5;
	s5 =	sadd.s32 s12, s7  }
0x11: {  	s6 =	sadd.s32 s7, s10;
	s9 =	sand.u32 $0x380, s31;
	s11 =	sshrl.u32 s11, $0x3  }
0x12: {  	s7 =	sadd.s32 s7, s15;
	s8 =	sor.u32 s30, s9;
	s9 =	sadd.s32 s12, s11  }
0x13: {  	s10 =	sadd.s32 s11, s10;
	s11 =	sadd.s32 s11, s15;
	s16 =	sshrl.u32 s8, $0x3  }
0x14: {  	s13 =	sadd.s32 $0xC00, s13;
	s15 =	simm.s32 $0x4000;
	s16 =	sor.u32 $0x6000, s16  }
0x15: {  	v0 =	vbroadcast v0, $0x0;
	s8 =	sadd.s32 $0x6000, s5;
	s12 =	sadd.s32 s12, s16;
	s16 =	simm.s32 $0x3  }
.LBB2_1:
0x16: {  	[tilespmem:s15], [sflag:$0x3] =	stream.linear.gather [hbm4b:s1+s3], $0x80, $0x38;
	[tilespmem:$0x4200] =	vst v63  }
0x17: {  	_ =	swait.ge [sflag:s16], $0x80  }
0x18: {  	[sflag:s16] =	ssyncset.done $0x0  }
0x19: {  	[sflag:s16] =	ssyncadd.s32 $0xFFFFFF80  }
0x1a: {  	[tilespmem:s17], [sflag:$0x3] =	stream.linear.gather [hbm4b:s4+s3], $0x80, $0x38;
	[tilespmem:$0x4200] =	vst v63  }
0x1b: {  	_ =	swait.ge [sflag:s16], $0x80  }
0x1c: {  	[sflag:s16] =	ssyncset.done $0x0  }
0x1d: {  	[sflag:s16] =	ssyncadd.s32 $0xFFFFFF80  }
0x1e: {  	[tilespmem:s3], [sflag:$0x1] =	stream.strided.gather [hbm4b:s5+s18], $0x2000, s19, s18, $0x38;
	[tilespmem:$0x4200] =	vst v63  }
0x1f: {  	_ = 	snop  }
0x20: {  	[tilespmem:s20], [sflag:$0x2] =	stream.strided.gather [hbm4b:s6+s18], $0x2000, s19, s18, $0x38;
	[tilespmem:$0x4200] =	vst v63  }
0x21: {  	_ =	swait.ge [sflag:s21], $0x2000  }
0x22: {  	[sflag:s21] =	ssyncset.done $0x0  }
0x23: {  	s25 =	simm.s32 $0x40;
	[sflag:s21] =	ssyncadd.s32 $0xFFFFE000  }
0x24: {  	v2 =	vld [tilespmem:s25+$0x0]  }
0x25: {  	v4 =	vld [tilespmem:s25+$0x10]  }
0x26: {  	v6 =	vld [tilespmem:s25+$0xFFFFFFC0]  }
0x27: {  	v7 =	vld [tilespmem:s25+$0xFFFFFFD0]  }
0x28: {  	v8 =	vld [tilespmem:s25+$0xFFFFFFE0]  }
0x29: {  	v9 =	vld [tilespmem:s25+$0xFFFFFFF0]  }
0x2a: {  	v10 =	vld [tilespmem:s25+$0x20]  }
0x2b: {  	v12 =	vld [tilespmem:s25+$0x30]  }
0x2c: {  	v3 =	vld.idx.msk [tilespmem:v2+s15+$0x0], $0xffff  }
0x2d: {  	v5 =	vld.idx.msk [tilespmem:v4+s15+$0x0], $0xffff  }
0x2e: {  	v15 =	vld.idx.msk [tilespmem:v6+s15+$0x0], $0xffff  }
0x2f: {  	v17 =	vld.idx.msk [tilespmem:v7+s15+$0x0], $0xffff  }
0x30: {  	v11 =	vld.idx.msk [tilespmem:v8+s15+$0x0], $0xffff  }
0x31: {  	v16 =	vld.idx.msk [tilespmem:v9+s15+$0x0], $0xffff  }
0x32: {  	v6 =	vimm.f32 $0.0e+00;
	v10 =	vld.idx.msk [tilespmem:v10+s15+$0x0], $0xffff  }
0x33: {  	s26 =	simm.s32 $0xC0;
	s25 =	simm.s32 $0x0;
	v12 =	vld.idx.msk [tilespmem:v12+s15+$0x0], $0xffff;
	v7 =	vimm.f32 $0.0e+00;
	v8 =	vimm.f32 $0.0e+00;
	v9 =	vimm.f32 $0.0e+00  }
.LBB2_2:
0x34: {  	v2 =	vld [tilespmem:s26+$0x0]  }
0x35: {  	v4 =	vld [tilespmem:s26+$0x10]  }
0x36: {  	v6 =	vadd.f32 v15, v6;
	v7 =	vadd.f32 v17, v7;
	v13 =	vld [tilespmem:s26+$0xFFFFFFC0]  }
0x37: {  	v8 =	vadd.f32 v11, v8;
	v9 =	vadd.f32 v16, v9;
	v14 =	vld [tilespmem:s26+$0xFFFFFFD0]  }
0x38: {  	v6 =	vadd.f32 v3, v6;
	v7 =	vadd.f32 v5, v7;
	v11 =	vld [tilespmem:s26+$0xFFFFFFE0]  }
0x39: {  	s25 =	sadd.s32 $0x80, s25;
	v8 =	vadd.f32 v10, v8;
	v9 =	vadd.f32 v12, v9;
	v16 =	vld [tilespmem:s26+$0xFFFFFFF0]  }
0x3a: {  	p0 =	slt.u32 s25, $0x1F80;
	v10 =	vld [tilespmem:s26+$0x20]  }
0x3b: {  	v12 =	vld [tilespmem:s26+$0x30]  }
0x3c: {  	v3 =	vld.idx.msk [tilespmem:v2+s15+$0x0], $0xffff  }
0x3d: {  	v5 =	vld.idx.msk [tilespmem:v4+s15+$0x0], $0xffff  }
0x3e: {  	v15 =	vld.idx.msk [tilespmem:v13+s15+$0x0], $0xffff  }
.Ltmp0:
0x3f: {  	v17 =	vld.idx.msk [tilespmem:v14+s15+$0x0], $0xffff;
	(pc) =	sbr.rel @p0 .LBB2_2-.Ltmp0, $4  }
0x40: {  	v11 =	vld.idx.msk [tilespmem:v11+s15+$0x0], $0xffff  }
0x41: {  	v16 =	vld.idx.msk [tilespmem:v16+s15+$0x0], $0xffff  }
0x42: {  	v10 =	vld.idx.msk [tilespmem:v10+s15+$0x0], $0xffff  }
0x43: {  	s26 =	sadd.s32 $0x80, s26;
	v12 =	vld.idx.msk [tilespmem:v12+s15+$0x0], $0xffff  }
0x44: {  	[tilespmem:s3], [sflag:$0x1] =	stream.strided.gather [hbm4b:s7+s18], $0x2000, s19, s18, $0x38;
	[tilespmem:$0x4200] =	vst v63  }
0x45: {  	_ =	swait.ge [sflag:s22], $0x2000  }
0x46: {  	[sflag:s22] =	ssyncset.done $0x0  }
0x47: {  	s25 =	simm.s32 $0x2040;
	[sflag:s22] =	ssyncadd.s32 $0xFFFFE000  }
0x48: {  	v2 =	vld [tilespmem:s25+$0x0]  }
0x49: {  	v4 =	vld [tilespmem:s25+$0x10]  }
0x4a: {  	v13 =	vld [tilespmem:s25+$0xFFFFFFC0]  }
0x4b: {  	v14 =	vld [tilespmem:s25+$0xFFFFFFD0]  }
0x4c: {  	v18 =	vld [tilespmem:s25+$0xFFFFFFE0]  }
0x4d: {  	v19 =	vld [tilespmem:s25+$0xFFFFFFF0]  }
0x4e: {  	v20 =	vld [tilespmem:s25+$0x20]  }
0x4f: {  	v21 =	vld [tilespmem:s25+$0x30]  }
0x50: {  	v2 =	vld.idx.msk [tilespmem:v2+s15+$0x0], $0xffff  }
0x51: {  	v4 =	vld.idx.msk [tilespmem:v4+s15+$0x0], $0xffff  }
0x52: {  	v13 =	vld.idx.msk [tilespmem:v13+s15+$0x0], $0xffff  }
0x53: {  	v14 =	vld.idx.msk [tilespmem:v14+s15+$0x0], $0xffff  }
0x54: {  	v6 =	vadd.f32 v15, v6;
	v7 =	vadd.f32 v17, v7;
	v15 =	vld.idx.msk [tilespmem:v18+s15+$0x0], $0xffff  }
0x55: {  	v8 =	vadd.f32 v11, v8;
	v9 =	vadd.f32 v16, v9;
	v17 =	vld.idx.msk [tilespmem:v19+s15+$0x0], $0xffff  }
0x56: {  	v6 =	vadd.f32 v3, v6;
	v7 =	vadd.f32 v5, v7;
	v11 =	vld.idx.msk [tilespmem:v20+s15+$0x0], $0xffff  }
0x57: {  	s26 =	simm.s32 $0x20C0;
	v8 =	vadd.f32 v10, v8;
	v9 =	vadd.f32 v12, v9;
	s25 =	simm.s32 $0x0;
	v10 =	vld.idx.msk [tilespmem:v21+s15+$0x0], $0xffff  }
.LBB2_4:
0x58: {  	v3 =	vld [tilespmem:s26+$0x0]  }
0x59: {  	v5 =	vld [tilespmem:s26+$0x10]  }
0x5a: {  	v6 =	vadd.f32 v13, v6;
	v7 =	vadd.f32 v14, v7;
	v12 =	vld [tilespmem:s26+$0xFFFFFFC0]  }
0x5b: {  	v8 =	vadd.f32 v15, v8;
	v9 =	vadd.f32 v17, v9;
	v14 =	vld [tilespmem:s26+$0xFFFFFFD0]  }
0x5c: {  	v6 =	vadd.f32 v2, v6;
	v7 =	vadd.f32 v4, v7;
	v15 =	vld [tilespmem:s26+$0xFFFFFFE0]  }
0x5d: {  	s25 =	sadd.s32 $0x80, s25;
	v8 =	vadd.f32 v11, v8;
	v9 =	vadd.f32 v10, v9;
	v16 =	vld [tilespmem:s26+$0xFFFFFFF0]  }
0x5e: {  	p0 =	slt.u32 s25, $0x1F80;
	v10 =	vld [tilespmem:s26+$0x20]  }
0x5f: {  	v18 =	vld [tilespmem:s26+$0x30]  }
0x60: {  	v2 =	vld.idx.msk [tilespmem:v3+s15+$0x0], $0xffff  }
0x61: {  	v4 =	vld.idx.msk [tilespmem:v5+s15+$0x0], $0xffff  }
0x62: {  	v13 =	vld.idx.msk [tilespmem:v12+s15+$0x0], $0xffff  }
.Ltmp1:
0x63: {  	v14 =	vld.idx.msk [tilespmem:v14+s15+$0x0], $0xffff;
	(pc) =	sbr.rel @p0 .LBB2_4-.Ltmp1, $4  }
0x64: {  	v15 =	vld.idx.msk [tilespmem:v15+s15+$0x0], $0xffff  }
0x65: {  	v17 =	vld.idx.msk [tilespmem:v16+s15+$0x0], $0xffff  }
0x66: {  	v11 =	vld.idx.msk [tilespmem:v10+s15+$0x0], $0xffff  }
0x67: {  	s26 =	sadd.s32 $0x80, s26;
	v10 =	vld.idx.msk [tilespmem:v18+s15+$0x0], $0xffff  }
0x68: {  	[tilespmem:s20], [sflag:$0x2] =	stream.strided.gather [hbm4b:s8+s18], $0x2000, s19, s18, $0x38;
	[tilespmem:$0x4200] =	vst v63  }
0x69: {  	_ =	swait.ge [sflag:s21], $0x2000  }
0x6a: {  	[sflag:s21] =	ssyncset.done $0x0  }
0x6b: {  	s25 =	simm.s32 $0x40;
	[sflag:s21] =	ssyncadd.s32 $0xFFFFE000  }
0x6c: {  	v3 =	vld [tilespmem:s25+$0x0]  }
0x6d: {  	v5 =	vld [tilespmem:s25+$0x10]  }
0x6e: {  	v12 =	vld [tilespmem:s25+$0xFFFFFFC0]  }
0x6f: {  	v16 =	vld [tilespmem:s25+$0xFFFFFFD0]  }
0x70: {  	v18 =	vld [tilespmem:s25+$0xFFFFFFE0]  }
0x71: {  	v19 =	vld [tilespmem:s25+$0xFFFFFFF0]  }
0x72: {  	v20 =	vld [tilespmem:s25+$0x20]  }
0x73: {  	v21 =	vld [tilespmem:s25+$0x30]  }
0x74: {  	v3 =	vld.idx.msk [tilespmem:v3+s15+$0x0], $0xffff  }
0x75: {  	v5 =	vld.idx.msk [tilespmem:v5+s15+$0x0], $0xffff  }
0x76: {  	v12 =	vld.idx.msk [tilespmem:v12+s15+$0x0], $0xffff  }
0x77: {  	v16 =	vld.idx.msk [tilespmem:v16+s15+$0x0], $0xffff  }
0x78: {  	v6 =	vadd.f32 v13, v6;
	v7 =	vadd.f32 v14, v7;
	v13 =	vld.idx.msk [tilespmem:v18+s15+$0x0], $0xffff  }
0x79: {  	v15 =	vadd.f32 v15, v8;
	v9 =	vadd.f32 v17, v9;
	v14 =	vld.idx.msk [tilespmem:v19+s15+$0x0], $0xffff  }
0x7a: {  	v2 =	vadd.f32 v2, v6;
	v4 =	vadd.f32 v4, v7;
	v8 =	vld.idx.msk [tilespmem:v20+s15+$0x0], $0xffff  }
0x7b: {  	s26 =	simm.s32 $0xC0;
	v6 =	vadd.f32 v11, v15;
	v7 =	vadd.f32 v10, v9;
	s25 =	simm.s32 $0x0;
	v9 =	vld.idx.msk [tilespmem:v21+s15+$0x0], $0xffff  }
.LBB2_6:
0x7c: {  	v10 =	vld [tilespmem:s26+$0x0]  }
0x7d: {  	v11 =	vld [tilespmem:s26+$0x10]  }
0x7e: {  	v2 =	vadd.f32 v12, v2;
	v4 =	vadd.f32 v16, v4;
	v15 =	vld [tilespmem:s26+$0xFFFFFFC0]  }
0x7f: {  	v6 =	vadd.f32 v13, v6;
	v7 =	vadd.f32 v14, v7;
	v16 =	vld [tilespmem:s26+$0xFFFFFFD0]  }
0x80: {  	v2 =	vadd.f32 v3, v2;
	v4 =	vadd.f32 v5, v4;
	v13 =	vld [tilespmem:s26+$0xFFFFFFE0]  }
0x81: {  	s25 =	sadd.s32 $0x80, s25;
	v6 =	vadd.f32 v8, v6;
	v7 =	vadd.f32 v9, v7;
	v14 =	vld [tilespmem:s26+$0xFFFFFFF0]  }
0x82: {  	p0 =	slt.u32 s25, $0x1F80;
	v8 =	vld [tilespmem:s26+$0x20]  }
0x83: {  	v9 =	vld [tilespmem:s26+$0x30]  }
0x84: {  	v3 =	vld.idx.msk [tilespmem:v10+s15+$0x0], $0xffff  }
0x85: {  	v5 =	vld.idx.msk [tilespmem:v11+s15+$0x0], $0xffff  }
0x86: {  	v12 =	vld.idx.msk [tilespmem:v15+s15+$0x0], $0xffff  }
.Ltmp2:
0x87: {  	v16 =	vld.idx.msk [tilespmem:v16+s15+$0x0], $0xffff;
	(pc) =	sbr.rel @p0 .LBB2_6-.Ltmp2, $4  }
0x88: {  	v13 =	vld.idx.msk [tilespmem:v13+s15+$0x0], $0xffff  }
0x89: {  	v14 =	vld.idx.msk [tilespmem:v14+s15+$0x0], $0xffff  }
0x8a: {  	v8 =	vld.idx.msk [tilespmem:v8+s15+$0x0], $0xffff  }
0x8b: {  	s26 =	sadd.s32 $0x80, s26;
	v9 =	vld.idx.msk [tilespmem:v9+s15+$0x0], $0xffff  }
0x8c: {  	[tilespmem:s3], [sflag:$0x1] =	stream.strided.gather [hbm4b:s9+s18], $0x2000, s19, s18, $0x38;
	[tilespmem:$0x4200] =	vst v63  }
0x8d: {  	_ =	swait.ge [sflag:s22], $0x2000  }
0x8e: {  	[sflag:s22] =	ssyncset.done $0x0  }
0x8f: {  	s25 =	simm.s32 $0x2040;
	[sflag:s22] =	ssyncadd.s32 $0xFFFFE000  }
0x90: {  	v10 =	vld [tilespmem:s25+$0x0]  }
0x91: {  	v11 =	vld [tilespmem:s25+$0x10]  }
0x92: {  	v15 =	vld [tilespmem:s25+$0xFFFFFFC0]  }
0x93: {  	v17 =	vld [tilespmem:s25+$0xFFFFFFD0]  }
0x94: {  	v18 =	vld [tilespmem:s25+$0xFFFFFFE0]  }
0x95: {  	v19 =	vld [tilespmem:s25+$0xFFFFFFF0]  }
0x96: {  	v20 =	vld [tilespmem:s25+$0x20]  }
0x97: {  	v21 =	vld [tilespmem:s25+$0x30]  }
0x98: {  	v10 =	vld.idx.msk [tilespmem:v10+s15+$0x0], $0xffff  }
0x99: {  	v11 =	vld.idx.msk [tilespmem:v11+s15+$0x0], $0xffff  }
0x9a: {  	v15 =	vld.idx.msk [tilespmem:v15+s15+$0x0], $0xffff  }
0x9b: {  	v17 =	vld.idx.msk [tilespmem:v17+s15+$0x0], $0xffff  }
0x9c: {  	v2 =	vadd.f32 v12, v2;
	v4 =	vadd.f32 v16, v4;
	v12 =	vld.idx.msk [tilespmem:v18+s15+$0x0], $0xffff  }
0x9d: {  	v16 =	vadd.f32 v13, v6;
	v7 =	vadd.f32 v14, v7;
	v13 =	vld.idx.msk [tilespmem:v19+s15+$0x0], $0xffff  }
0x9e: {  	v2 =	vadd.f32 v3, v2;
	v3 =	vadd.f32 v5, v4;
	v6 =	vld.idx.msk [tilespmem:v20+s15+$0x0], $0xffff  }
0x9f: {  	s26 =	simm.s32 $0x20C0;
	v5 =	vadd.f32 v8, v16;
	v4 =	vadd.f32 v9, v7;
	s25 =	simm.s32 $0x0;
	v7 =	vld.idx.msk [tilespmem:v21+s15+$0x0], $0xffff  }
.LBB2_8:
0xa0: {  	v8 =	vld [tilespmem:s26+$0x0]  }
0xa1: {  	v9 =	vld [tilespmem:s26+$0x10]  }
0xa2: {  	v2 =	vadd.f32 v15, v2;
	v3 =	vadd.f32 v17, v3;
	v14 =	vld [tilespmem:s26+$0xFFFFFFC0]  }
0xa3: {  	v5 =	vadd.f32 v12, v5;
	v4 =	vadd.f32 v13, v4;
	v16 =	vld [tilespmem:s26+$0xFFFFFFD0]  }
0xa4: {  	v2 =	vadd.f32 v10, v2;
	v3 =	vadd.f32 v11, v3;
	v12 =	vld [tilespmem:s26+$0xFFFFFFE0]  }
0xa5: {  	s25 =	sadd.s32 $0x80, s25;
	v5 =	vadd.f32 v6, v5;
	v4 =	vadd.f32 v7, v4;
	v13 =	vld [tilespmem:s26+$0xFFFFFFF0]  }
0xa6: {  	p0 =	slt.u32 s25, $0x1F80;
	v6 =	vld [tilespmem:s26+$0x20]  }
0xa7: {  	v7 =	vld [tilespmem:s26+$0x30]  }
0xa8: {  	v10 =	vld.idx.msk [tilespmem:v8+s15+$0x0], $0xffff  }
0xa9: {  	v11 =	vld.idx.msk [tilespmem:v9+s15+$0x0], $0xffff  }
0xaa: {  	v15 =	vld.idx.msk [tilespmem:v14+s15+$0x0], $0xffff  }
.Ltmp3:
0xab: {  	v17 =	vld.idx.msk [tilespmem:v16+s15+$0x0], $0xffff;
	(pc) =	sbr.rel @p0 .LBB2_8-.Ltmp3, $4  }
0xac: {  	v12 =	vld.idx.msk [tilespmem:v12+s15+$0x0], $0xffff  }
0xad: {  	v13 =	vld.idx.msk [tilespmem:v13+s15+$0x0], $0xffff  }
0xae: {  	v6 =	vld.idx.msk [tilespmem:v6+s15+$0x0], $0xffff  }
0xaf: {  	s26 =	sadd.s32 $0x80, s26;
	v7 =	vld.idx.msk [tilespmem:v7+s15+$0x0], $0xffff  }
0xb0: {  	v2 =	vadd.f32 v15, v2;
	v3 =	vadd.f32 v17, v3  }
0xb1: {  	v5 =	vadd.f32 v12, v5  }
0xb2: {  	v2 =	vadd.f32 v10, v2;
	v3 =	vadd.f32 v11, v3  }
0xb3: {  	v4 =	vadd.f32 v13, v4  }
0xb4: {  	v5 =	vadd.f32 v6, v5;
	v2 =	vadd.f32 v3, v2;
	_ =	sdelay $0x1  }
0xb5: {  	v3 =	vadd.f32 v7, v4;
	v2 =	vadd.f32 v5, v2;
	_ =	sdelay $0x1  }
0xb6: {  	v2 =	vadd.f32 v3, v2;
	_ =	sdelay $0x1  }
0xb7: {  	(xrf2) =	vadd.scan.msk.f32 $0xffff, v2;
	_ =	sdelay $0x7  }
0xb8: {  	v2 =	vld.idx.msk [tilespmem:v0+s17+$0x0], $0xffff;
	_ =	sdelay $0x1  }
0xb9: {  	v3, _, _ =	vpop (xrf2)  }
0xba: {  	v3 =	vbroadcast v3, $0xF;
	_ =	sdelay $0x1  }
0xbb: {  	v2 =	vadd.f32 v2, v3;
	_ =	sdelay $0x1  }
0xbc: {  	[tilespmem:$0x4100] =	vst v2  }
0xbd: {  	[tilespmem:s20], [sflag:$0x2] =	stream.strided.gather [hbm4b:s10+s18], $0x2000, s19, s18, $0x38;
	[tilespmem:$0x4200] =	vst v63  }
0xbe: {  	_ =	swait.ge [sflag:s21], $0x2000  }
0xbf: {  	[sflag:s21] =	ssyncset.done $0x0  }
0xc0: {  	s25 =	simm.s32 $0x40;
	[sflag:s21] =	ssyncadd.s32 $0xFFFFE000  }
0xc1: {  	v2 =	vld [tilespmem:s25+$0x0]  }
0xc2: {  	v3 =	vld [tilespmem:s25+$0x10]  }
0xc3: {  	v6 =	vld [tilespmem:s25+$0xFFFFFFC0]  }
0xc4: {  	v7 =	vld [tilespmem:s25+$0xFFFFFFD0]  }
0xc5: {  	v8 =	vld [tilespmem:s25+$0xFFFFFFE0]  }
0xc6: {  	v9 =	vld [tilespmem:s25+$0xFFFFFFF0]  }
0xc7: {  	v10 =	vld [tilespmem:s25+$0x20]  }
0xc8: {  	v12 =	vld [tilespmem:s25+$0x30]  }
0xc9: {  	v4 =	vld.idx.msk [tilespmem:v2+s15+$0x0], $0xffff  }
0xca: {  	v5 =	vld.idx.msk [tilespmem:v3+s15+$0x0], $0xffff  }
0xcb: {  	v15 =	vld.idx.msk [tilespmem:v6+s15+$0x0], $0xffff  }
0xcc: {  	v17 =	vld.idx.msk [tilespmem:v7+s15+$0x0], $0xffff  }
0xcd: {  	v11 =	vld.idx.msk [tilespmem:v8+s15+$0x0], $0xffff  }
0xce: {  	v16 =	vld.idx.msk [tilespmem:v9+s15+$0x0], $0xffff  }
0xcf: {  	v6 =	vimm.f32 $0.0e+00;
	v10 =	vld.idx.msk [tilespmem:v10+s15+$0x0], $0xffff  }
0xd0: {  	s26 =	simm.s32 $0xC0;
	s25 =	simm.s32 $0x0;
	v12 =	vld.idx.msk [tilespmem:v12+s15+$0x0], $0xffff;
	v7 =	vimm.f32 $0.0e+00;
	v8 =	vimm.f32 $0.0e+00;
	v9 =	vimm.f32 $0.0e+00  }
.LBB2_10:
0xd1: {  	v2 =	vld [tilespmem:s26+$0x0]  }
0xd2: {  	v3 =	vld [tilespmem:s26+$0x10]  }
0xd3: {  	v6 =	vadd.f32 v15, v6;
	v7 =	vadd.f32 v17, v7;
	v13 =	vld [tilespmem:s26+$0xFFFFFFC0]  }
0xd4: {  	v8 =	vadd.f32 v11, v8;
	v9 =	vadd.f32 v16, v9;
	v14 =	vld [tilespmem:s26+$0xFFFFFFD0]  }
0xd5: {  	v6 =	vadd.f32 v4, v6;
	v7 =	vadd.f32 v5, v7;
	v11 =	vld [tilespmem:s26+$0xFFFFFFE0]  }
0xd6: {  	s25 =	sadd.s32 $0x80, s25;
	v8 =	vadd.f32 v10, v8;
	v9 =	vadd.f32 v12, v9;
	v16 =	vld [tilespmem:s26+$0xFFFFFFF0]  }
0xd7: {  	p0 =	slt.u32 s25, $0x1F80;
	v10 =	vld [tilespmem:s26+$0x20]  }
0xd8: {  	v12 =	vld [tilespmem:s26+$0x30]  }
0xd9: {  	v4 =	vld.idx.msk [tilespmem:v2+s15+$0x0], $0xffff  }
0xda: {  	v5 =	vld.idx.msk [tilespmem:v3+s15+$0x0], $0xffff  }
0xdb: {  	v15 =	vld.idx.msk [tilespmem:v13+s15+$0x0], $0xffff  }
.Ltmp4:
0xdc: {  	v17 =	vld.idx.msk [tilespmem:v14+s15+$0x0], $0xffff;
	(pc) =	sbr.rel @p0 .LBB2_10-.Ltmp4, $4  }
0xdd: {  	v11 =	vld.idx.msk [tilespmem:v11+s15+$0x0], $0xffff  }
0xde: {  	v16 =	vld.idx.msk [tilespmem:v16+s15+$0x0], $0xffff  }
0xdf: {  	v10 =	vld.idx.msk [tilespmem:v10+s15+$0x0], $0xffff  }
0xe0: {  	s26 =	sadd.s32 $0x80, s26;
	v12 =	vld.idx.msk [tilespmem:v12+s15+$0x0], $0xffff  }
0xe1: {  	[tilespmem:s3], [sflag:$0x1] =	stream.strided.gather [hbm4b:s11+s18], $0x2000, s19, s18, $0x38;
	[tilespmem:$0x4200] =	vst v63  }
0xe2: {  	_ =	swait.ge [sflag:s22], $0x2000  }
0xe3: {  	[sflag:s22] =	ssyncset.done $0x0  }
0xe4: {  	s25 =	simm.s32 $0x2040;
	[sflag:s22] =	ssyncadd.s32 $0xFFFFE000  }
0xe5: {  	v2 =	vld [tilespmem:s25+$0x0]  }
0xe6: {  	v3 =	vld [tilespmem:s25+$0x10]  }
0xe7: {  	v13 =	vld [tilespmem:s25+$0xFFFFFFC0]  }
0xe8: {  	v14 =	vld [tilespmem:s25+$0xFFFFFFD0]  }
0xe9: {  	v18 =	vld [tilespmem:s25+$0xFFFFFFE0]  }
0xea: {  	v19 =	vld [tilespmem:s25+$0xFFFFFFF0]  }
0xeb: {  	v20 =	vld [tilespmem:s25+$0x20]  }
0xec: {  	v21 =	vld [tilespmem:s25+$0x30]  }
0xed: {  	v2 =	vld.idx.msk [tilespmem:v2+s15+$0x0], $0xffff  }
0xee: {  	v3 =	vld.idx.msk [tilespmem:v3+s15+$0x0], $0xffff  }
0xef: {  	v13 =	vld.idx.msk [tilespmem:v13+s15+$0x0], $0xffff  }
0xf0: {  	v14 =	vld.idx.msk [tilespmem:v14+s15+$0x0], $0xffff  }
0xf1: {  	v6 =	vadd.f32 v15, v6;
	v7 =	vadd.f32 v17, v7;
	v15 =	vld.idx.msk [tilespmem:v18+s15+$0x0], $0xffff  }
0xf2: {  	v8 =	vadd.f32 v11, v8;
	v9 =	vadd.f32 v16, v9;
	v17 =	vld.idx.msk [tilespmem:v19+s15+$0x0], $0xffff  }
0xf3: {  	v6 =	vadd.f32 v4, v6;
	v7 =	vadd.f32 v5, v7;
	v11 =	vld.idx.msk [tilespmem:v20+s15+$0x0], $0xffff  }
0xf4: {  	s26 =	simm.s32 $0x20C0;
	v8 =	vadd.f32 v10, v8;
	v9 =	vadd.f32 v12, v9;
	s25 =	simm.s32 $0x0;
	v10 =	vld.idx.msk [tilespmem:v21+s15+$0x0], $0xffff  }
.LBB2_12:
0xf5: {  	v4 =	vld [tilespmem:s26+$0x0]  }
0xf6: {  	v5 =	vld [tilespmem:s26+$0x10]  }
0xf7: {  	v6 =	vadd.f32 v13, v6;
	v7 =	vadd.f32 v14, v7;
	v12 =	vld [tilespmem:s26+$0xFFFFFFC0]  }
0xf8: {  	v8 =	vadd.f32 v15, v8;
	v9 =	vadd.f32 v17, v9;
	v14 =	vld [tilespmem:s26+$0xFFFFFFD0]  }
0xf9: {  	v6 =	vadd.f32 v2, v6;
	v7 =	vadd.f32 v3, v7;
	v15 =	vld [tilespmem:s26+$0xFFFFFFE0]  }
0xfa: {  	s25 =	sadd.s32 $0x80, s25;
	v8 =	vadd.f32 v11, v8;
	v9 =	vadd.f32 v10, v9;
	v16 =	vld [tilespmem:s26+$0xFFFFFFF0]  }
0xfb: {  	p0 =	slt.u32 s25, $0x1F80;
	v10 =	vld [tilespmem:s26+$0x20]  }
0xfc: {  	v18 =	vld [tilespmem:s26+$0x30]  }
0xfd: {  	v2 =	vld.idx.msk [tilespmem:v4+s15+$0x0], $0xffff  }
0xfe: {  	v3 =	vld.idx.msk [tilespmem:v5+s15+$0x0], $0xffff  }
0xff: {  	v13 =	vld.idx.msk [tilespmem:v12+s15+$0x0], $0xffff  }
.Ltmp5:
0x100: {  	v14 =	vld.idx.msk [tilespmem:v14+s15+$0x0], $0xffff;
	(pc) =	sbr.rel @p0 .LBB2_12-.Ltmp5, $4  }
0x101: {  	v15 =	vld.idx.msk [tilespmem:v15+s15+$0x0], $0xffff  }
0x102: {  	v17 =	vld.idx.msk [tilespmem:v16+s15+$0x0], $0xffff  }
0x103: {  	v11 =	vld.idx.msk [tilespmem:v10+s15+$0x0], $0xffff  }
0x104: {  	s26 =	sadd.s32 $0x80, s26;
	v10 =	vld.idx.msk [tilespmem:v18+s15+$0x0], $0xffff  }
0x105: {  	[tilespmem:s20], [sflag:$0x2] =	stream.strided.gather [hbm4b:s12+s18], $0x2000, s19, s18, $0x38;
	[tilespmem:$0x4200] =	vst v63  }
0x106: {  	_ =	swait.ge [sflag:s21], $0x2000  }
0x107: {  	[sflag:s21] =	ssyncset.done $0x0  }
0x108: {  	s25 =	simm.s32 $0x40;
	[sflag:s21] =	ssyncadd.s32 $0xFFFFE000  }
0x109: {  	v4 =	vld [tilespmem:s25+$0x0]  }
0x10a: {  	v5 =	vld [tilespmem:s25+$0x10]  }
0x10b: {  	v12 =	vld [tilespmem:s25+$0xFFFFFFC0]  }
0x10c: {  	v16 =	vld [tilespmem:s25+$0xFFFFFFD0]  }
0x10d: {  	v18 =	vld [tilespmem:s25+$0xFFFFFFE0]  }
0x10e: {  	v19 =	vld [tilespmem:s25+$0xFFFFFFF0]  }
0x10f: {  	v20 =	vld [tilespmem:s25+$0x20]  }
0x110: {  	v21 =	vld [tilespmem:s25+$0x30]  }
0x111: {  	v4 =	vld.idx.msk [tilespmem:v4+s15+$0x0], $0xffff  }
0x112: {  	v5 =	vld.idx.msk [tilespmem:v5+s15+$0x0], $0xffff  }
0x113: {  	v12 =	vld.idx.msk [tilespmem:v12+s15+$0x0], $0xffff  }
0x114: {  	v16 =	vld.idx.msk [tilespmem:v16+s15+$0x0], $0xffff  }
0x115: {  	v6 =	vadd.f32 v13, v6;
	v7 =	vadd.f32 v14, v7;
	v13 =	vld.idx.msk [tilespmem:v18+s15+$0x0], $0xffff  }
0x116: {  	v15 =	vadd.f32 v15, v8;
	v9 =	vadd.f32 v17, v9;
	v14 =	vld.idx.msk [tilespmem:v19+s15+$0x0], $0xffff  }
0x117: {  	v2 =	vadd.f32 v2, v6;
	v3 =	vadd.f32 v3, v7;
	v8 =	vld.idx.msk [tilespmem:v20+s15+$0x0], $0xffff  }
0x118: {  	s26 =	simm.s32 $0xC0;
	v6 =	vadd.f32 v11, v15;
	v7 =	vadd.f32 v10, v9;
	s25 =	simm.s32 $0x0;
	v10 =	vld.idx.msk [tilespmem:v21+s15+$0x0], $0xffff  }
.LBB2_14:
0x119: {  	v9 =	vld [tilespmem:s26+$0x0]  }
0x11a: {  	v11 =	vld [tilespmem:s26+$0x10]  }
0x11b: {  	v2 =	vadd.f32 v12, v2;
	v3 =	vadd.f32 v16, v3;
	v15 =	vld [tilespmem:s26+$0xFFFFFFC0]  }
0x11c: {  	v6 =	vadd.f32 v13, v6;
	v7 =	vadd.f32 v14, v7;
	v16 =	vld [tilespmem:s26+$0xFFFFFFD0]  }
0x11d: {  	v2 =	vadd.f32 v4, v2;
	v3 =	vadd.f32 v5, v3;
	v13 =	vld [tilespmem:s26+$0xFFFFFFE0]  }
0x11e: {  	s25 =	sadd.s32 $0x80, s25;
	v6 =	vadd.f32 v8, v6;
	v7 =	vadd.f32 v10, v7;
	v14 =	vld [tilespmem:s26+$0xFFFFFFF0]  }
0x11f: {  	p0 =	slt.u32 s25, $0x1F80;
	v8 =	vld [tilespmem:s26+$0x20]  }
0x120: {  	v10 =	vld [tilespmem:s26+$0x30]  }
0x121: {  	v4 =	vld.idx.msk [tilespmem:v9+s15+$0x0], $0xffff  }
0x122: {  	v5 =	vld.idx.msk [tilespmem:v11+s15+$0x0], $0xffff  }
0x123: {  	v12 =	vld.idx.msk [tilespmem:v15+s15+$0x0], $0xffff  }
.Ltmp6:
0x124: {  	v16 =	vld.idx.msk [tilespmem:v16+s15+$0x0], $0xffff;
	(pc) =	sbr.rel @p0 .LBB2_14-.Ltmp6, $4  }
0x125: {  	v13 =	vld.idx.msk [tilespmem:v13+s15+$0x0], $0xffff  }
0x126: {  	v14 =	vld.idx.msk [tilespmem:v14+s15+$0x0], $0xffff  }
0x127: {  	v8 =	vld.idx.msk [tilespmem:v8+s15+$0x0], $0xffff  }
0x128: {  	s26 =	sadd.s32 $0x80, s26;
	v10 =	vld.idx.msk [tilespmem:v10+s15+$0x0], $0xffff  }
0x129: {  	_ =	swait.ge [sflag:s22], $0x2000  }
0x12a: {  	[sflag:s22] =	ssyncset.done $0x0  }
0x12b: {  	s25 =	simm.s32 $0x2040;
	[sflag:s22] =	ssyncadd.s32 $0xFFFFE000  }
0x12c: {  	v9 =	vld [tilespmem:s25+$0x0]  }
0x12d: {  	v11 =	vld [tilespmem:s25+$0x10]  }
0x12e: {  	v15 =	vld [tilespmem:s25+$0xFFFFFFC0]  }
0x12f: {  	v17 =	vld [tilespmem:s25+$0xFFFFFFD0]  }
0x130: {  	v18 =	vld [tilespmem:s25+$0xFFFFFFE0]  }
0x131: {  	v19 =	vld [tilespmem:s25+$0xFFFFFFF0]  }
0x132: {  	v20 =	vld [tilespmem:s25+$0x20]  }
0x133: {  	v21 =	vld [tilespmem:s25+$0x30]  }
0x134: {  	v9 =	vld.idx.msk [tilespmem:v9+s15+$0x0], $0xffff  }
0x135: {  	v11 =	vld.idx.msk [tilespmem:v11+s15+$0x0], $0xffff  }
0x136: {  	v15 =	vld.idx.msk [tilespmem:v15+s15+$0x0], $0xffff  }
0x137: {  	v17 =	vld.idx.msk [tilespmem:v17+s15+$0x0], $0xffff  }
0x138: {  	v2 =	vadd.f32 v12, v2;
	v3 =	vadd.f32 v16, v3;
	v12 =	vld.idx.msk [tilespmem:v18+s15+$0x0], $0xffff  }
0x139: {  	v16 =	vadd.f32 v13, v6;
	v7 =	vadd.f32 v14, v7;
	v13 =	vld.idx.msk [tilespmem:v19+s15+$0x0], $0xffff  }
0x13a: {  	v2 =	vadd.f32 v4, v2;
	v3 =	vadd.f32 v5, v3;
	v6 =	vld.idx.msk [tilespmem:v20+s15+$0x0], $0xffff  }
0x13b: {  	s26 =	simm.s32 $0x20C0;
	v5 =	vadd.f32 v8, v16;
	s25 =	simm.s32 $0x0;
	v4 =	vadd.f32 v10, v7;
	v7 =	vld.idx.msk [tilespmem:v21+s15+$0x0], $0xffff  }
.LBB2_16:
0x13c: {  	v8 =	vld [tilespmem:s26+$0x0]  }
0x13d: {  	v10 =	vld [tilespmem:s26+$0x10]  }
0x13e: {  	v2 =	vadd.f32 v15, v2;
	v3 =	vadd.f32 v17, v3;
	v14 =	vld [tilespmem:s26+$0xFFFFFFC0]  }
0x13f: {  	v5 =	vadd.f32 v12, v5;
	v4 =	vadd.f32 v13, v4;
	v16 =	vld [tilespmem:s26+$0xFFFFFFD0]  }
0x140: {  	v2 =	vadd.f32 v9, v2;
	v3 =	vadd.f32 v11, v3;
	v12 =	vld [tilespmem:s26+$0xFFFFFFE0]  }
0x141: {  	s25 =	sadd.s32 $0x80, s25;
	v5 =	vadd.f32 v6, v5;
	v4 =	vadd.f32 v7, v4;
	v13 =	vld [tilespmem:s26+$0xFFFFFFF0]  }
0x142: {  	p0 =	slt.u32 s25, $0x1F80;
	v6 =	vld [tilespmem:s26+$0x20]  }
0x143: {  	v7 =	vld [tilespmem:s26+$0x30]  }
0x144: {  	v9 =	vld.idx.msk [tilespmem:v8+s15+$0x0], $0xffff  }
0x145: {  	v11 =	vld.idx.msk [tilespmem:v10+s15+$0x0], $0xffff  }
0x146: {  	v15 =	vld.idx.msk [tilespmem:v14+s15+$0x0], $0xffff  }
.Ltmp7:
0x147: {  	v17 =	vld.idx.msk [tilespmem:v16+s15+$0x0], $0xffff;
	(pc) =	sbr.rel @p0 .LBB2_16-.Ltmp7, $4  }
0x148: {  	v12 =	vld.idx.msk [tilespmem:v12+s15+$0x0], $0xffff  }
0x149: {  	v13 =	vld.idx.msk [tilespmem:v13+s15+$0x0], $0xffff  }
0x14a: {  	v6 =	vld.idx.msk [tilespmem:v6+s15+$0x0], $0xffff  }
0x14b: {  	s26 =	sadd.s32 $0x80, s26;
	v7 =	vld.idx.msk [tilespmem:v7+s15+$0x0], $0xffff  }
0x14c: {  	v2 =	vadd.f32 v15, v2;
	v3 =	vadd.f32 v17, v3  }
0x14d: {  	v5 =	vadd.f32 v12, v5  }
0x14e: {  	v2 =	vadd.f32 v9, v2;
	v3 =	vadd.f32 v11, v3  }
0x14f: {  	v4 =	vadd.f32 v13, v4  }
0x150: {  	v5 =	vadd.f32 v6, v5;
	v2 =	vadd.f32 v3, v2;
	_ =	sdelay $0x1  }
0x151: {  	v3 =	vadd.f32 v7, v4;
	v2 =	vadd.f32 v5, v2;
	_ =	sdelay $0x1  }
0x152: {  	v2 =	vadd.f32 v3, v2;
	_ =	sdelay $0x1  }
0x153: {  	(xrf2) =	vadd.scan.msk.f32 $0xffff, v2;
	_ =	sdelay $0x7  }
0x154: {  	v2 =	vld.idx.msk [tilespmem:v1+s17+$0x0], $0xffff;
	_ =	sdelay $0x1  }
0x155: {  	v3, _, _ =	vpop (xrf2)  }
0x156: {  	v3 =	vbroadcast v3, $0xF;
	_ =	sdelay $0x1  }
0x157: {  	s24 =	sadd.s32 $0x1, s24;
	v2 =	vadd.f32 v2, v3  }
0x158: {  	p0 =	sne.s32 s24, s14  }
.Ltmp8:
0x159: {  	[tilespmem:$0x4180] =	vst v2;
	(pc) =	sbr.rel @p0 .LBB2_1-.Ltmp8, $4  }
0x15a: {  	[hbm4b:s13+s3] =	stream.linear.scatter [tilespmem:s23], [sflag:$0x3], $0x100, $0x38;
	[tilespmem:$0x4200] =	vst v63  }
0x15b: {  	_ =	swait.ge [sflag:s16], $0x100  }
0x15c: {  	[sflag:s16] =	ssyncset.done $0x0  }
0x15d: {  	[sflag:s16] =	ssyncadd.s32 $0xFFFFFF00  }
0x15e: {  	_ =	sfence.sel $0x180000  }
0x15f: {  	[bflag:$0x0] =	sbarrier.arrive $0xFFFF  }
0x160: {  	p0 =	sne.s32 s0, $0x0;
	_ =	strace $0x90000047  }
0x161: {  	s0 =	sadd.s32 @!p0 $0x100000, s2;
	[bflag:$0x2] =	sbarrier.arrive $0xFFFF  }
0x162: {  	[sflag:s0] =	ssyncadd.tile.s32 @!p0 $0x1;
	_ =	shalt  }
.Lfunc_end2:
_tile_overlayer_lowered:
.L_overlay_start_2:
0x163: {  	(tag) =	ssettag $0x2  }
0x164: {  	s0 =	rddreg [dreg:$0x0];
	s2 =	stileid.u32  }
0x165: {  	s1 =	rddreg [dreg:$0x1];
	p0 =	sne.s32 s2, $0x0  }
0x166: {  	s3 =	rddreg [dreg:$0x2];
	[bflag:$0x3] =	sbarrier.arrive $0xFFFF;
	s2 =	simm.s32 @!p0 $0x1C03  }
0x167: {  	[timem:s3], [sflag:s2] =	dma.local @!p0 [hbm:s0], s1  }
0x168: {  	s0 =	simm.s32 @!p0 $0x3  }
0x169: {  	_ =	swait.ge @!p0 [sflag:s0], s1  }
0x16a: {  	s1 =	ssub.s32 @!p0 $0x0, s1;
	[sflag:s0] =	ssyncset.done @!p0 $0x0  }
0x16b: {  	[sflag:s0] =	ssyncadd.s32 @!p0 s1  }
0x16c: {  	[bflag:$0x3] =	sbarrier.arrive $0xFFFF  }
0x16d: {  	_ =	shalt  }

</sc_bundles>
